<compile_context>
chip_gen: v7x
topology: tpu7x:2x2x1
jax: 0.10.2.dev20260603
libtpu: 0.0.44.dev20260713+nightly
codegen_flags: <defaults>
</compile_context>

<pallas_src>
import functools

import jax
import jax.numpy as jnp
from jax import lax
from jax.experimental import pallas as pl
from jax.experimental.pallas import tpu as pltpu
from jax.experimental.pallas import tpu_sc as plsc

N_ROWS = 16384
N_COLS = 1000
LANES = 16
NUM_FULL = N_COLS // LANES
TAIL_OFF = N_COLS - LANES
TAIL_DUP = LANES - (N_COLS - NUM_FULL * LANES)
NC, NS = 2, 16
NW = NC * NS
ROWS_PER_W = N_ROWS // NW
CHUNK = 16
NCHUNK = ROWS_PER_W // CHUNK
SPLIT = NUM_FULL // 2
NEG_INF = float("-inf")

_GATHER_DNUMS = lax.GatherDimensionNumbers(
    offset_dims=(), collapsed_slice_dims=(0,), start_index_map=(0,))


def _shuf(v, lane, sh):
  return lax.gather(v, (lane ^ sh)[:, None], _GATHER_DNUMS, (1,),
                    mode=lax.GatherScatterMode.PROMISE_IN_BOUNDS)


def _allmax(v, lane):
  for sh in (1, 2, 4, 8):
    v = jnp.maximum(v, _shuf(v, lane, sh))
  return v


def _allmin(v, lane):
  for sh in (1, 2, 4, 8):
    v = jnp.minimum(v, _shuf(v, lane, sh))
  return v


def _sc_weak_target(weak):
  mesh = plsc.VectorSubcoreMesh(core_axis_name="c", subcore_axis_name="s")

  @functools.partial(
      pl.kernel,
      mesh=mesh,
      compiler_params=pltpu.CompilerParams(
          use_tc_tiling_on_sc=True, needs_layout_passes=False),
      out_type=jax.ShapeDtypeStruct((N_ROWS,), jnp.int32),
      scratch_types=[
          pltpu.VMEM((CHUNK, N_COLS), jnp.float32),
          pltpu.VMEM((CHUNK, N_COLS), jnp.float32),
          pltpu.VMEM((ROWS_PER_W,), jnp.int32),
          pltpu.SemaphoreType.DMA,
          pltpu.SemaphoreType.DMA,
      ],
  )
  def body(weak_hbm, tgt_hbm, wbufA, wbufB, t_all, semA, semB):
    wid = lax.axis_index("s") * NC + lax.axis_index("c")
    lane = lax.iota(jnp.int32, LANES)
    row_base = wid * ROWS_PER_W

    def src(ch):
      row0 = row_base + ch * CHUNK
      return weak_hbm.at[pl.ds(row0, CHUNK), :]

    def compute_chunk(ch, wbuf):
      def half(h):
        def row_body(r0, ivec):
          r = h * LANES + r0
          mwA = jnp.full((LANES,), NEG_INF, jnp.float32)
          mwB = mwA
          jwA = jnp.zeros((LANES,), jnp.int32)
          jwB = jwA
          for j in range(NUM_FULL):
            wv = wbuf[r, pl.ds(j * LANES, LANES)]
            if j < SPLIT:
              take = wv > mwA
              mwA = jnp.maximum(mwA, wv)
              jwA = jnp.where(take, j, jwA)
            else:
              take = wv > mwB
              mwB = jnp.maximum(mwB, wv)
              jwB = jnp.where(take, j, jwB)
          takeB = mwB > mwA
          m_w = jnp.maximum(mwA, mwB)
          j_w = jnp.where(takeB, jwB, jwA)
          wv = wbuf[r, pl.ds(TAIL_OFF, LANES)]
          wv = jnp.where(lane >= TAIL_DUP, wv, NEG_INF)
          take = wv > m_w
          m_w = jnp.maximum(m_w, wv)
          j_w = jnp.where(take, NUM_FULL, j_w)
          col = j_w * LANES + lane
          col = jnp.where(j_w == NUM_FULL, col - TAIL_DUP, col)
          mw_max = _allmax(m_w, lane)
          cand = jnp.where(m_w == mw_max, col, jnp.int32(N_COLS))
          target = _allmin(cand, lane)
          return jnp.where(lane == r0, target, ivec)

        ivec = lax.fori_loop(0, LANES, row_body,
                             jnp.zeros((LANES,), jnp.int32))
        t_all[pl.ds(ch * CHUNK + h * LANES, LANES)] = ivec

      half(0)

    pltpu.async_copy(src(0), wbufA, semA)

    def pair_body(i, carry):
      ch = 2 * i
      pltpu.async_copy(src(ch + 1), wbufB, semB)
      pltpu.make_async_copy(src(ch), wbufA, semA).wait()
      compute_chunk(ch, wbufA)

      @pl.when(ch + 2 < NCHUNK)
      def _():
        pltpu.async_copy(src(ch + 2), wbufA, semA)

      pltpu.make_async_copy(src(ch + 1), wbufB, semB).wait()
      compute_chunk(ch + 1, wbufB)
      return carry

    lax.fori_loop(0, NCHUNK // 2, pair_body, 0)

    pltpu.sync_copy(t_all, tgt_hbm.at[pl.ds(row_base, ROWS_PER_W)])

  return body(weak)


_TC_BLOCK = 1024


def _tc_strong(strong, tgt):
  def body(s_ref, t_ref, out_ref):
    @pl.when(pl.program_id(0) == 0)
    def _():
      out_ref[0, 0] = jnp.float32(0.0)

    s = s_ref[...]
    t = t_ref[...]
    m = jnp.max(s, axis=1, keepdims=True)
    lse = m[:, 0] + jnp.log(jnp.sum(jnp.exp(s - m), axis=1))
    cols = lax.broadcasted_iota(jnp.int32, (_TC_BLOCK, N_COLS), 1)
    tv = jnp.sum(jnp.where(cols == t, s, 0.0))
    out_ref[0, 0] += (jnp.sum(lse) - tv) * (1.0 / N_ROWS)

  return pl.pallas_call(
      body,
      grid=(N_ROWS // _TC_BLOCK,),
      in_specs=[pl.BlockSpec((_TC_BLOCK, N_COLS), lambda i: (i, 0)),
                pl.BlockSpec((_TC_BLOCK, 1), lambda i: (i, 0))],
      out_specs=pl.BlockSpec((1, 1), lambda i: (0, 0),
                             memory_space=pltpu.SMEM),
      out_shape=jax.ShapeDtypeStruct((1, 1), jnp.float32),
  )(strong, tgt)


@jax.jit
def _impl(anchors_weak, anchors_strong):
  tgt = _sc_weak_target(anchors_weak)
  total = _tc_strong(anchors_strong, tgt.reshape(N_ROWS, 1))
  return total[0, 0]


def kernel(head_id, anchors_weak, anchors_strong):
  del head_id
  return _impl(anchors_weak, anchors_strong)

# --- scband reference (transcript-rebuilt; emitter-appended) ---
"""Pipeline reference for scband-ours-loss-global-9947144258257 (READ-ONLY COPY).

The authoritative reference and input builder live on the scoring server;
editing this copy changes nothing except your own understanding.
"""

import jax, jax.numpy as jnp
import numpy as np

THRESHOLD = 0.0

def setup_inputs(seed: int = 0) -> dict:
    key = jax.random.key(seed)
    k1, k2 = jax.random.split(key)
    anchors_weak = jax.random.normal(k1, (16384, 1000), dtype=jnp.float32)
    anchors_strong = jax.random.normal(k2, (16384, 1000), dtype=jnp.float32)
    return {"head_id": 1, "anchors_weak": anchors_weak, "anchors_strong": anchors_strong}

def reference(head_id, anchors_weak, anchors_strong):
    # weak branch: softmax -> max prob / argmax target (no grad path: mask is a bool compare)
    weak_anchors_prob = jax.nn.softmax(anchors_weak, axis=1)
    max_prob = jnp.max(weak_anchors_prob, axis=1)
    target = jnp.argmax(weak_anchors_prob, axis=1)
    mask = max_prob > THRESHOLD
    # kl_div_loss with weight=None, mean_outside_mask=False:
    # loss = mean over masked rows of -log_softmax(anchors_strong)[i, target_i]
    log_prob = -jax.nn.log_softmax(anchors_strong, axis=1)
    per_row = jnp.take_along_axis(log_prob, target[:, None], axis=1)[:, 0]
    maskf = mask.astype(per_row.dtype)
    denom = jnp.sum(maskf)
    loss = jnp.where(denom > 0, jnp.sum(per_row * maskf) / jnp.maximum(denom, 1.0), jnp.array(0.0, per_row.dtype))
    return loss

if __name__ == "__main__":
    import jax
    _d = setup_inputs()
    print(jax.jit(kernel)(*tuple(_d.values())))

</pallas_src>

<mosaic_0001>
#map = affine_map<(d0, d1) -> (0, 0)>
#map1 = affine_map<(d0, d1) -> (0)>
module attributes {stable_mosaic.version = 14 : i64} {
  func.func @body(%arg0: i32, %arg1: i32, %arg2: memref<16384x1000xf32, #tpu.memory_space<hbm>>, %arg3: memref<16384xi32, #tpu.memory_space<hbm>>, %arg4: memref<16x1000xf32, #tpu.memory_space<vmem>>, %arg5: memref<16x1000xf32, #tpu.memory_space<vmem>>, %arg6: memref<512xi32, #tpu.memory_space<vmem>>, %arg7: memref<!tpu.dma_semaphore, #tpu.memory_space<semaphore_mem>>, %arg8: memref<!tpu.dma_semaphore, #tpu.memory_space<semaphore_mem>>) attributes {dimension_semantics = [#tpu.dimension_semantics<core_parallel>, #tpu.dimension_semantics<subcore_parallel>], iteration_bounds = array<i64: 2, 16>, scalar_prefetch = 0 : i64, scratch_operands = 5 : i64, tpu.core_type = #tpu.core_type<sc_vector_subcore>, window_params = [{transform_indices = #map}, {transform_indices = #map1}]} {
    %mul3A = arith.constant 2 : i32
    %mul3A_0 = arith.muli %arg1, %mul3A : i32
    %add3A = arith.addi %mul3A_0, %arg0 : i32
    %iota3A = tpu.iota {dimensions = array<i32: 0>} : vector<16xi32>
    %mul3A_1 = arith.constant 512 : i32
    %mul3A_2 = arith.muli %add3A, %mul3A_1 : i32
    %add3A_3 = arith.constant 0 : i32
    %add3A_4 = arith.addi %mul3A_2, %add3A_3 : i32
    %dma_start3A = arith.constant 0 : i32
    %dma_start3A_5 = tpu.memref_slice %arg2[%add3A_4, %dma_start3A] : memref<16384x1000xf32, #tpu.memory_space<hbm>> -> memref<16x1000xf32, #tpu.memory_space<hbm>>
    %dma_start3A_6 = arith.constant 0 : i32
    %dma_start3A_7 = tpu.memref_slice %arg2[%add3A_4, %dma_start3A_6] : memref<16384x1000xf32, #tpu.memory_space<hbm>> -> memref<16x1000xf32, #tpu.memory_space<hbm>>
    tpu.enqueue_dma source(%dma_start3A_7 : memref<16x1000xf32, #tpu.memory_space<hbm>>) target(%arg4 : memref<16x1000xf32, #tpu.memory_space<vmem>>) target_semaphore(%arg7 : memref<!tpu.dma_semaphore, #tpu.memory_space<semaphore_mem>>)
    %scan3A = arith.constant 0 : i32
    %scan3A_8 = arith.constant 0 : i32
    %scan3A_9 = arith.constant 16 : i32
    %scan3A_10 = arith.addi %scan3A_8, %scan3A_9 : i32
    %scan3A_11 = arith.constant 1 : i32
    scf.for %scan3A_13 = %scan3A_8 to %scan3A_10 step %scan3A_11  : i32 {
      %mul3A_14 = arith.constant 2 : i32
      %mul3A_15 = arith.muli %mul3A_14, %scan3A_13 : i32
      %add3A_16 = arith.constant 1 : i32
      %add3A_17 = arith.addi %mul3A_15, %add3A_16 : i32
      %mul3A_18 = arith.constant 16 : i32
      %mul3A_19 = arith.muli %add3A_17, %mul3A_18 : i32
      %add3A_20 = arith.addi %mul3A_2, %mul3A_19 : i32
      %dma_start3A_21 = arith.constant 0 : i32
      %dma_start3A_22 = tpu.memref_slice %arg2[%add3A_20, %dma_start3A_21] : memref<16384x1000xf32, #tpu.memory_space<hbm>> -> memref<16x1000xf32, #tpu.memory_space<hbm>>
      %dma_start3A_23 = arith.constant 0 : i32
      %dma_start3A_24 = tpu.memref_slice %arg2[%add3A_20, %dma_start3A_23] : memref<16384x1000xf32, #tpu.memory_space<hbm>> -> memref<16x1000xf32, #tpu.memory_space<hbm>>
      tpu.enqueue_dma source(%dma_start3A_24 : memref<16x1000xf32, #tpu.memory_space<hbm>>) target(%arg5 : memref<16x1000xf32, #tpu.memory_space<vmem>>) target_semaphore(%arg8 : memref<!tpu.dma_semaphore, #tpu.memory_space<semaphore_mem>>)
      %mul3A_25 = arith.constant 16 : i32
      %mul3A_26 = arith.muli %mul3A_15, %mul3A_25 : i32
      %add3A_27 = arith.addi %mul3A_2, %mul3A_26 : i32
      %dma_wait3A = arith.constant 0 : i32
      %dma_wait3A_28 = tpu.memref_slice %arg2[%add3A_27, %dma_wait3A] : memref<16384x1000xf32, #tpu.memory_space<hbm>> -> memref<16x1000xf32, #tpu.memory_space<hbm>>
      %dma_wait3A_29 = arith.constant 0 : i32
      %dma_wait3A_30 = tpu.memref_slice %arg2[%add3A_27, %dma_wait3A_29] : memref<16384x1000xf32, #tpu.memory_space<hbm>> -> memref<16x1000xf32, #tpu.memory_space<hbm>>
      tpu.wait_dma2 semaphore(%arg7 : memref<!tpu.dma_semaphore, #tpu.memory_space<semaphore_mem>>) src(%dma_wait3A_30 : memref<16x1000xf32, #tpu.memory_space<hbm>>) dst(%arg4 : memref<16x1000xf32, #tpu.memory_space<vmem>>)
      %broadcast_in_dim3A = arith.constant 0 : i32
      %broadcast_in_dim3A_31 = vector.broadcast %broadcast_in_dim3A : i32 to vector<16xi32>
      %scan3A_32 = arith.constant 0 : i32
      %scan3A_33 = arith.constant 16 : i32
      %scan3A_34 = arith.addi %scan3A_32, %scan3A_33 : i32
      %scan3A_35 = arith.constant 1 : i32
      %scan3A_36 = scf.for %scan3A_72 = %scan3A_32 to %scan3A_34 step %scan3A_35 iter_args(%scan3A_73 = %broadcast_in_dim3A_31) -> (vector<16xi32>)  : i32 {
        %add3A_74 = arith.constant 0 : i32
        %add3A_75 = arith.addi %add3A_74, %scan3A_72 : i32
        %broadcast_in_dim3A_76 = arith.constant 0xFF800000 : f32
        %broadcast_in_dim3A_77 = vector.broadcast %broadcast_in_dim3A_76 : f32 to vector<16xf32>
        %broadcast_in_dim3A_78 = arith.constant 0 : i32
        %broadcast_in_dim3A_79 = vector.broadcast %broadcast_in_dim3A_78 : i32 to vector<16xi32>
        %get3A = arith.index_cast %add3A_75 : i32 to index
        %get3A_80 = arith.constant 0 : index
        %get3A_81 = tpu.vector_load %arg4[%get3A, %get3A_80] {strides = array<i32>} : memref<16x1000xf32, #tpu.memory_space<vmem>>, vector<16xf32>,
        %gt3A = arith.cmpf ogt, %get3A_81, %broadcast_in_dim3A_77 : vector<16xf32>
        %max3A = arith.maximumf %broadcast_in_dim3A_77, %get3A_81 : vector<16xf32>
        %jit3A = arith.constant 0 : i32
        %broadcast_in_dim3A_82 = vector.broadcast %jit3A : i32 to vector<16xi32>
        %select_n3A = arith.select %gt3A, %broadcast_in_dim3A_82, %broadcast_in_dim3A_79 : vector<16xi1>, vector<16xi32>
        %get3A_83 = arith.index_cast %add3A_75 : i32 to index
        %get3A_84 = arith.constant 16 : index
        %get3A_85 = tpu.vector_load %arg4[%get3A_83, %get3A_84] {strides = array<i32>} : memref<16x1000xf32, #tpu.memory_space<vmem>>, vector<16xf32>,
        %gt3A_86 = arith.cmpf ogt, %get3A_85, %max3A : vector<16xf32>
        %max3A_87 = arith.maximumf %max3A, %get3A_85 : vector<16xf32>
        %jit3A_88 = arith.constant 1 : i32
        %broadcast_in_dim3A_89 = vector.broadcast %jit3A_88 : i32 to vector<16xi32>
        %select_n3A_90 = arith.select %gt3A_86, %broadcast_in_dim3A_89, %select_n3A : vector<16xi1>, vector<16xi32>
        %get3A_91 = arith.index_cast %add3A_75 : i32 to index
        %get3A_92 = arith.constant 32 : index
        %get3A_93 = tpu.vector_load %arg4[%get3A_91, %get3A_92] {strides = array<i32>} : memref<16x1000xf32, #tpu.memory_space<vmem>>, vector<16xf32>,
        %gt3A_94 = arith.cmpf ogt, %get3A_93, %max3A_87 : vector<16xf32>
        %max3A_95 = arith.maximumf %max3A_87, %get3A_93 : vector<16xf32>
        %jit3A_96 = arith.constant 2 : i32
        %broadcast_in_dim3A_97 = vector.broadcast %jit3A_96 : i32 to vector<16xi32>
        %select_n3A_98 = arith.select %gt3A_94, %broadcast_in_dim3A_97, %select_n3A_90 : vector<16xi1>, vector<16xi32>
        %get3A_99 = arith.index_cast %add3A_75 : i32 to index
        %get3A_100 = arith.constant 48 : index
        %get3A_101 = tpu.vector_load %arg4[%get3A_99, %get3A_100] {strides = array<i32>} : memref<16x1000xf32, #tpu.memory_space<vmem>>, vector<16xf32>,
        %gt3A_102 = arith.cmpf ogt, %get3A_101, %max3A_95 : vector<16xf32>
        %max3A_103 = arith.maximumf %max3A_95, %get3A_101 : vector<16xf32>
        %jit3A_104 = arith.constant 3 : i32
        %broadcast_in_dim3A_105 = vector.broadcast %jit3A_104 : i32 to vector<16xi32>
        %select_n3A_106 = arith.select %gt3A_102, %broadcast_in_dim3A_105, %select_n3A_98 : vector<16xi1>, vector<16xi32>
        %get3A_107 = arith.index_cast %add3A_75 : i32 to index
        %get3A_108 = arith.constant 64 : index
        %get3A_109 = tpu.vector_load %arg4[%get3A_107, %get3A_108] {strides = array<i32>} : memref<16x1000xf32, #tpu.memory_space<vmem>>, vector<16xf32>,
        %gt3A_110 = arith.cmpf ogt, %get3A_109, %max3A_103 : vector<16xf32>
        %max3A_111 = arith.maximumf %max3A_103, %get3A_109 : vector<16xf32>
        %jit3A_112 = arith.constant 4 : i32
        %broadcast_in_dim3A_113 = vector.broadcast %jit3A_112 : i32 to vector<16xi32>
        %select_n3A_114 = arith.select %gt3A_110, %broadcast_in_dim3A_113, %select_n3A_106 : vector<16xi1>, vector<16xi32>
        %get3A_115 = arith.index_cast %add3A_75 : i32 to index
        %get3A_116 = arith.constant 80 : index
        %get3A_117 = tpu.vector_load %arg4[%get3A_115, %get3A_116] {strides = array<i32>} : memref<16x1000xf32, #tpu.memory_space<vmem>>, vector<16xf32>,
        %gt3A_118 = arith.cmpf ogt, %get3A_117, %max3A_111 : vector<16xf32>
        %max3A_119 = arith.maximumf %max3A_111, %get3A_117 : vector<16xf32>
        %jit3A_120 = arith.constant 5 : i32
        %broadcast_in_dim3A_121 = vector.broadcast %jit3A_120 : i32 to vector<16xi32>
        %select_n3A_122 = arith.select %gt3A_118, %broadcast_in_dim3A_121, %select_n3A_114 : vector<16xi1>, vector<16xi32>
        %get3A_123 = arith.index_cast %add3A_75 : i32 to index
        %get3A_124 = arith.constant 96 : index
        %get3A_125 = tpu.vector_load %arg4[%get3A_123, %get3A_124] {strides = array<i32>} : memref<16x1000xf32, #tpu.memory_space<vmem>>, vector<16xf32>,
        %gt3A_126 = arith.cmpf ogt, %get3A_125, %max3A_119 : vector<16xf32>
        %max3A_127 = arith.maximumf %max3A_119, %get3A_125 : vector<16xf32>
        %jit3A_128 = arith.constant 6 : i32
        %broadcast_in_dim3A_129 = vector.broadcast %jit3A_128 : i32 to vector<16xi32>
        %select_n3A_130 = arith.select %gt3A_126, %broadcast_in_dim3A_129, %select_n3A_122 : vector<16xi1>, vector<16xi32>
        %get3A_131 = arith.index_cast %add3A_75 : i32 to index
        %get3A_132 = arith.constant 112 : index
        %get3A_133 = tpu.vector_load %arg4[%get3A_131, %get3A_132] {strides = array<i32>} : memref<16x1000xf32, #tpu.memory_space<vmem>>, vector<16xf32>,
        %gt3A_134 = arith.cmpf ogt, %get3A_133, %max3A_127 : vector<16xf32>
        %max3A_135 = arith.maximumf %max3A_127, %get3A_133 : vector<16xf32>
        %jit3A_136 = arith.constant 7 : i32
        %broadcast_in_dim3A_137 = vector.broadcast %jit3A_136 : i32 to vector<16xi32>
        %select_n3A_138 = arith.select %gt3A_134, %broadcast_in_dim3A_137, %select_n3A_130 : vector<16xi1>, vector<16xi32>
        %get3A_139 = arith.index_cast %add3A_75 : i32 to index
        %get3A_140 = arith.constant 128 : index
        %get3A_141 = tpu.vector_load %arg4[%get3A_139, %get3A_140] {strides = array<i32>} : memref<16x1000xf32, #tpu.memory_space<vmem>>, vector<16xf32>,
        %gt3A_142 = arith.cmpf ogt, %get3A_141, %max3A_135 : vector<16xf32>
        %max3A_143 = arith.maximumf %max3A_135, %get3A_141 : vector<16xf32>
        %jit3A_144 = arith.constant 8 : i32
        %broadcast_in_dim3A_145 = vector.broadcast %jit3A_144 : i32 to vector<16xi32>
        %select_n3A_146 = arith.select %gt3A_142, %broadcast_in_dim3A_145, %select_n3A_138 : vector<16xi1>, vector<16xi32>
        %get3A_147 = arith.index_cast %add3A_75 : i32 to index
        %get3A_148 = arith.constant 144 : index
        %get3A_149 = tpu.vector_load %arg4[%get3A_147, %get3A_148] {strides = array<i32>} : memref<16x1000xf32, #tpu.memory_space<vmem>>, vector<16xf32>,
        %gt3A_150 = arith.cmpf ogt, %get3A_149, %max3A_143 : vector<16xf32>
        %max3A_151 = arith.maximumf %max3A_143, %get3A_149 : vector<16xf32>
        %jit3A_152 = arith.constant 9 : i32
        %broadcast_in_dim3A_153 = vector.broadcast %jit3A_152 : i32 to vector<16xi32>
        %select_n3A_154 = arith.select %gt3A_150, %broadcast_in_dim3A_153, %select_n3A_146 : vector<16xi1>, vector<16xi32>
        %get3A_155 = arith.index_cast %add3A_75 : i32 to index
        %get3A_156 = arith.constant 160 : index
        %get3A_157 = tpu.vector_load %arg4[%get3A_155, %get3A_156] {strides = array<i32>} : memref<16x1000xf32, #tpu.memory_space<vmem>>, vector<16xf32>,
        %gt3A_158 = arith.cmpf ogt, %get3A_157, %max3A_151 : vector<16xf32>
        %max3A_159 = arith.maximumf %max3A_151, %get3A_157 : vector<16xf32>
        %jit3A_160 = arith.constant 10 : i32
        %broadcast_in_dim3A_161 = vector.broadcast %jit3A_160 : i32 to vector<16xi32>
        %select_n3A_162 = arith.select %gt3A_158, %broadcast_in_dim3A_161, %select_n3A_154 : vector<16xi1>, vector<16xi32>
        %get3A_163 = arith.index_cast %add3A_75 : i32 to index
        %get3A_164 = arith.constant 176 : index
        %get3A_165 = tpu.vector_load %arg4[%get3A_163, %get3A_164] {strides = array<i32>} : memref<16x1000xf32, #tpu.memory_space<vmem>>, vector<16xf32>,
        %gt3A_166 = arith.cmpf ogt, %get3A_165, %max3A_159 : vector<16xf32>
        %max3A_167 = arith.maximumf %max3A_159, %get3A_165 : vector<16xf32>
        %jit3A_168 = arith.constant 11 : i32
        %broadcast_in_dim3A_169 = vector.broadcast %jit3A_168 : i32 to vector<16xi32>
        %select_n3A_170 = arith.select %gt3A_166, %broadcast_in_dim3A_169, %select_n3A_162 : vector<16xi1>, vector<16xi32>
        %get3A_171 = arith.index_cast %add3A_75 : i32 to index
        %get3A_172 = arith.constant 192 : index
        %get3A_173 = tpu.vector_load %arg4[%get3A_171, %get3A_172] {strides = array<i32>} : memref<16x1000xf32, #tpu.memory_space<vmem>>, vector<16xf32>,
        %gt3A_174 = arith.cmpf ogt, %get3A_173, %max3A_167 : vector<16xf32>
        %max3A_175 = arith.maximumf %max3A_167, %get3A_173 : vector<16xf32>
        %jit3A_176 = arith.constant 12 : i32
        %broadcast_in_dim3A_177 = vector.broadcast %jit3A_176 : i32 to vector<16xi32>
        %select_n3A_178 = arith.select %gt3A_174, %broadcast_in_dim3A_177, %select_n3A_170 : vector<16xi1>, vector<16xi32>
        %get3A_179 = arith.index_cast %add3A_75 : i32 to index
        %get3A_180 = arith.constant 208 : index
        %get3A_181 = tpu.vector_load %arg4[%get3A_179, %get3A_180] {strides = array<i32>} : memref<16x1000xf32, #tpu.memory_space<vmem>>, vector<16xf32>,
        %gt3A_182 = arith.cmpf ogt, %get3A_181, %max3A_175 : vector<16xf32>
        %max3A_183 = arith.maximumf %max3A_175, %get3A_181 : vector<16xf32>
        %jit3A_184 = arith.constant 13 : i32
        %broadcast_in_dim3A_185 = vector.broadcast %jit3A_184 : i32 to vector<16xi32>
        %select_n3A_186 = arith.select %gt3A_182, %broadcast_in_dim3A_185, %select_n3A_178 : vector<16xi1>, vector<16xi32>
        %get3A_187 = arith.index_cast %add3A_75 : i32 to index
        %get3A_188 = arith.constant 224 : index
        %get3A_189 = tpu.vector_load %arg4[%get3A_187, %get3A_188] {strides = array<i32>} : memref<16x1000xf32, #tpu.memory_space<vmem>>, vector<16xf32>,
        %gt3A_190 = arith.cmpf ogt, %get3A_189, %max3A_183 : vector<16xf32>
        %max3A_191 = arith.maximumf %max3A_183, %get3A_189 : vector<16xf32>
        %jit3A_192 = arith.constant 14 : i32
        %broadcast_in_dim3A_193 = vector.broadcast %jit3A_192 : i32 to vector<16xi32>
        %select_n3A_194 = arith.select %gt3A_190, %broadcast_in_dim3A_193, %select_n3A_186 : vector<16xi1>, vector<16xi32>
        %get3A_195 = arith.index_cast %add3A_75 : i32 to index
        %get3A_196 = arith.constant 240 : index
        %get3A_197 = tpu.vector_load %arg4[%get3A_195, %get3A_196] {strides = array<i32>} : memref<16x1000xf32, #tpu.memory_space<vmem>>, vector<16xf32>,
        %gt3A_198 = arith.cmpf ogt, %get3A_197, %max3A_191 : vector<16xf32>
        %max3A_199 = arith.maximumf %max3A_191, %get3A_197 : vector<16xf32>
        %jit3A_200 = arith.constant 15 : i32
        %broadcast_in_dim3A_201 = vector.broadcast %jit3A_200 : i32 to vector<16xi32>
        %select_n3A_202 = arith.select %gt3A_198, %broadcast_in_dim3A_201, %select_n3A_194 : vector<16xi1>, vector<16xi32>
        %get3A_203 = arith.index_cast %add3A_75 : i32 to index
        %get3A_204 = arith.constant 256 : index
        %get3A_205 = tpu.vector_load %arg4[%get3A_203, %get3A_204] {strides = array<i32>} : memref<16x1000xf32, #tpu.memory_space<vmem>>, vector<16xf32>,
        %gt3A_206 = arith.cmpf ogt, %get3A_205, %max3A_199 : vector<16xf32>
        %max3A_207 = arith.maximumf %max3A_199, %get3A_205 : vector<16xf32>
        %jit3A_208 = arith.constant 16 : i32
        %broadcast_in_dim3A_209 = vector.broadcast %jit3A_208 : i32 to vector<16xi32>
        %select_n3A_210 = arith.select %gt3A_206, %broadcast_in_dim3A_209, %select_n3A_202 : vector<16xi1>, vector<16xi32>
        %get3A_211 = arith.index_cast %add3A_75 : i32 to index
        %get3A_212 = arith.constant 272 : index
        %get3A_213 = tpu.vector_load %arg4[%get3A_211, %get3A_212] {strides = array<i32>} : memref<16x1000xf32, #tpu.memory_space<vmem>>, vector<16xf32>,
        %gt3A_214 = arith.cmpf ogt, %get3A_213, %max3A_207 : vector<16xf32>
        %max3A_215 = arith.maximumf %max3A_207, %get3A_213 : vector<16xf32>
        %jit3A_216 = arith.constant 17 : i32
        %broadcast_in_dim3A_217 = vector.broadcast %jit3A_216 : i32 to vector<16xi32>
        %select_n3A_218 = arith.select %gt3A_214, %broadcast_in_dim3A_217, %select_n3A_210 : vector<16xi1>, vector<16xi32>
        %get3A_219 = arith.index_cast %add3A_75 : i32 to index
        %get3A_220 = arith.constant 288 : index
        %get3A_221 = tpu.vector_load %arg4[%get3A_219, %get3A_220] {strides = array<i32>} : memref<16x1000xf32, #tpu.memory_space<vmem>>, vector<16xf32>,
        %gt3A_222 = arith.cmpf ogt, %get3A_221, %max3A_215 : vector<16xf32>
        %max3A_223 = arith.maximumf %max3A_215, %get3A_221 : vector<16xf32>
        %jit3A_224 = arith.constant 18 : i32
        %broadcast_in_dim3A_225 = vector.broadcast %jit3A_224 : i32 to vector<16xi32>
        %select_n3A_226 = arith.select %gt3A_222, %broadcast_in_dim3A_225, %select_n3A_218 : vector<16xi1>, vector<16xi32>
        %get3A_227 = arith.index_cast %add3A_75 : i32 to index
        %get3A_228 = arith.constant 304 : index
        %get3A_229 = tpu.vector_load %arg4[%get3A_227, %get3A_228] {strides = array<i32>} : memref<16x1000xf32, #tpu.memory_space<vmem>>, vector<16xf32>,
        %gt3A_230 = arith.cmpf ogt, %get3A_229, %max3A_223 : vector<16xf32>
        %max3A_231 = arith.maximumf %max3A_223, %get3A_229 : vector<16xf32>
        %jit3A_232 = arith.constant 19 : i32
        %broadcast_in_dim3A_233 = vector.broadcast %jit3A_232 : i32 to vector<16xi32>
        %select_n3A_234 = arith.select %gt3A_230, %broadcast_in_dim3A_233, %select_n3A_226 : vector<16xi1>, vector<16xi32>
        %get3A_235 = arith.index_cast %add3A_75 : i32 to index
        %get3A_236 = arith.constant 320 : index
        %get3A_237 = tpu.vector_load %arg4[%get3A_235, %get3A_236] {strides = array<i32>} : memref<16x1000xf32, #tpu.memory_space<vmem>>, vector<16xf32>,
        %gt3A_238 = arith.cmpf ogt, %get3A_237, %max3A_231 : vector<16xf32>
        %max3A_239 = arith.maximumf %max3A_231, %get3A_237 : vector<16xf32>
        %jit3A_240 = arith.constant 20 : i32
        %broadcast_in_dim3A_241 = vector.broadcast %jit3A_240 : i32 to vector<16xi32>
        %select_n3A_242 = arith.select %gt3A_238, %broadcast_in_dim3A_241, %select_n3A_234 : vector<16xi1>, vector<16xi32>
        %get3A_243 = arith.index_cast %add3A_75 : i32 to index
        %get3A_244 = arith.constant 336 : index
        %get3A_245 = tpu.vector_load %arg4[%get3A_243, %get3A_244] {strides = array<i32>} : memref<16x1000xf32, #tpu.memory_space<vmem>>, vector<16xf32>,
        %gt3A_246 = arith.cmpf ogt, %get3A_245, %max3A_239 : vector<16xf32>
        %max3A_247 = arith.maximumf %max3A_239, %get3A_245 : vector<16xf32>
        %jit3A_248 = arith.constant 21 : i32
        %broadcast_in_dim3A_249 = vector.broadcast %jit3A_248 : i32 to vector<16xi32>
        %select_n3A_250 = arith.select %gt3A_246, %broadcast_in_dim3A_249, %select_n3A_242 : vector<16xi1>, vector<16xi32>
        %get3A_251 = arith.index_cast %add3A_75 : i32 to index
        %get3A_252 = arith.constant 352 : index
        %get3A_253 = tpu.vector_load %arg4[%get3A_251, %get3A_252] {strides = array<i32>} : memref<16x1000xf32, #tpu.memory_space<vmem>>, vector<16xf32>,
        %gt3A_254 = arith.cmpf ogt, %get3A_253, %max3A_247 : vector<16xf32>
        %max3A_255 = arith.maximumf %max3A_247, %get3A_253 : vector<16xf32>
        %jit3A_256 = arith.constant 22 : i32
        %broadcast_in_dim3A_257 = vector.broadcast %jit3A_256 : i32 to vector<16xi32>
        %select_n3A_258 = arith.select %gt3A_254, %broadcast_in_dim3A_257, %select_n3A_250 : vector<16xi1>, vector<16xi32>
        %get3A_259 = arith.index_cast %add3A_75 : i32 to index
        %get3A_260 = arith.constant 368 : index
        %get3A_261 = tpu.vector_load %arg4[%get3A_259, %get3A_260] {strides = array<i32>} : memref<16x1000xf32, #tpu.memory_space<vmem>>, vector<16xf32>,
        %gt3A_262 = arith.cmpf ogt, %get3A_261, %max3A_255 : vector<16xf32>
        %max3A_263 = arith.maximumf %max3A_255, %get3A_261 : vector<16xf32>
        %jit3A_264 = arith.constant 23 : i32
        %broadcast_in_dim3A_265 = vector.broadcast %jit3A_264 : i32 to vector<16xi32>
        %select_n3A_266 = arith.select %gt3A_262, %broadcast_in_dim3A_265, %select_n3A_258 : vector<16xi1>, vector<16xi32>
        %get3A_267 = arith.index_cast %add3A_75 : i32 to index
        %get3A_268 = arith.constant 384 : index
        %get3A_269 = tpu.vector_load %arg4[%get3A_267, %get3A_268] {strides = array<i32>} : memref<16x1000xf32, #tpu.memory_space<vmem>>, vector<16xf32>,
        %gt3A_270 = arith.cmpf ogt, %get3A_269, %max3A_263 : vector<16xf32>
        %max3A_271 = arith.maximumf %max3A_263, %get3A_269 : vector<16xf32>
        %jit3A_272 = arith.constant 24 : i32
        %broadcast_in_dim3A_273 = vector.broadcast %jit3A_272 : i32 to vector<16xi32>
        %select_n3A_274 = arith.select %gt3A_270, %broadcast_in_dim3A_273, %select_n3A_266 : vector<16xi1>, vector<16xi32>
        %get3A_275 = arith.index_cast %add3A_75 : i32 to index
        %get3A_276 = arith.constant 400 : index
        %get3A_277 = tpu.vector_load %arg4[%get3A_275, %get3A_276] {strides = array<i32>} : memref<16x1000xf32, #tpu.memory_space<vmem>>, vector<16xf32>,
        %gt3A_278 = arith.cmpf ogt, %get3A_277, %max3A_271 : vector<16xf32>
        %max3A_279 = arith.maximumf %max3A_271, %get3A_277 : vector<16xf32>
        %jit3A_280 = arith.constant 25 : i32
        %broadcast_in_dim3A_281 = vector.broadcast %jit3A_280 : i32 to vector<16xi32>
        %select_n3A_282 = arith.select %gt3A_278, %broadcast_in_dim3A_281, %select_n3A_274 : vector<16xi1>, vector<16xi32>
        %get3A_283 = arith.index_cast %add3A_75 : i32 to index
        %get3A_284 = arith.constant 416 : index
        %get3A_285 = tpu.vector_load %arg4[%get3A_283, %get3A_284] {strides = array<i32>} : memref<16x1000xf32, #tpu.memory_space<vmem>>, vector<16xf32>,
        %gt3A_286 = arith.cmpf ogt, %get3A_285, %max3A_279 : vector<16xf32>
        %max3A_287 = arith.maximumf %max3A_279, %get3A_285 : vector<16xf32>
        %jit3A_288 = arith.constant 26 : i32
        %broadcast_in_dim3A_289 = vector.broadcast %jit3A_288 : i32 to vector<16xi32>
        %select_n3A_290 = arith.select %gt3A_286, %broadcast_in_dim3A_289, %select_n3A_282 : vector<16xi1>, vector<16xi32>
        %get3A_291 = arith.index_cast %add3A_75 : i32 to index
        %get3A_292 = arith.constant 432 : index
        %get3A_293 = tpu.vector_load %arg4[%get3A_291, %get3A_292] {strides = array<i32>} : memref<16x1000xf32, #tpu.memory_space<vmem>>, vector<16xf32>,
        %gt3A_294 = arith.cmpf ogt, %get3A_293, %max3A_287 : vector<16xf32>
        %max3A_295 = arith.maximumf %max3A_287, %get3A_293 : vector<16xf32>
        %jit3A_296 = arith.constant 27 : i32
        %broadcast_in_dim3A_297 = vector.broadcast %jit3A_296 : i32 to vector<16xi32>
        %select_n3A_298 = arith.select %gt3A_294, %broadcast_in_dim3A_297, %select_n3A_290 : vector<16xi1>, vector<16xi32>
        %get3A_299 = arith.index_cast %add3A_75 : i32 to index
        %get3A_300 = arith.constant 448 : index
        %get3A_301 = tpu.vector_load %arg4[%get3A_299, %get3A_300] {strides = array<i32>} : memref<16x1000xf32, #tpu.memory_space<vmem>>, vector<16xf32>,
        %gt3A_302 = arith.cmpf ogt, %get3A_301, %max3A_295 : vector<16xf32>
        %max3A_303 = arith.maximumf %max3A_295, %get3A_301 : vector<16xf32>
        %jit3A_304 = arith.constant 28 : i32
        %broadcast_in_dim3A_305 = vector.broadcast %jit3A_304 : i32 to vector<16xi32>
        %select_n3A_306 = arith.select %gt3A_302, %broadcast_in_dim3A_305, %select_n3A_298 : vector<16xi1>, vector<16xi32>
        %get3A_307 = arith.index_cast %add3A_75 : i32 to index
        %get3A_308 = arith.constant 464 : index
        %get3A_309 = tpu.vector_load %arg4[%get3A_307, %get3A_308] {strides = array<i32>} : memref<16x1000xf32, #tpu.memory_space<vmem>>, vector<16xf32>,
        %gt3A_310 = arith.cmpf ogt, %get3A_309, %max3A_303 : vector<16xf32>
        %max3A_311 = arith.maximumf %max3A_303, %get3A_309 : vector<16xf32>
        %jit3A_312 = arith.constant 29 : i32
        %broadcast_in_dim3A_313 = vector.broadcast %jit3A_312 : i32 to vector<16xi32>
        %select_n3A_314 = arith.select %gt3A_310, %broadcast_in_dim3A_313, %select_n3A_306 : vector<16xi1>, vector<16xi32>
        %get3A_315 = arith.index_cast %add3A_75 : i32 to index
        %get3A_316 = arith.constant 480 : index
        %get3A_317 = tpu.vector_load %arg4[%get3A_315, %get3A_316] {strides = array<i32>} : memref<16x1000xf32, #tpu.memory_space<vmem>>, vector<16xf32>,
        %gt3A_318 = arith.cmpf ogt, %get3A_317, %max3A_311 : vector<16xf32>
        %max3A_319 = arith.maximumf %max3A_311, %get3A_317 : vector<16xf32>
        %jit3A_320 = arith.constant 30 : i32
        %broadcast_in_dim3A_321 = vector.broadcast %jit3A_320 : i32 to vector<16xi32>
        %select_n3A_322 = arith.select %gt3A_318, %broadcast_in_dim3A_321, %select_n3A_314 : vector<16xi1>, vector<16xi32>
        %get3A_323 = arith.index_cast %add3A_75 : i32 to index
        %get3A_324 = arith.constant 496 : index
        %get3A_325 = tpu.vector_load %arg4[%get3A_323, %get3A_324] {strides = array<i32>} : memref<16x1000xf32, #tpu.memory_space<vmem>>, vector<16xf32>,
        %gt3A_326 = arith.cmpf ogt, %get3A_325, %broadcast_in_dim3A_77 : vector<16xf32>
        %max3A_327 = arith.maximumf %broadcast_in_dim3A_77, %get3A_325 : vector<16xf32>
        %jit3A_328 = arith.constant 31 : i32
        %broadcast_in_dim3A_329 = vector.broadcast %jit3A_328 : i32 to vector<16xi32>
        %select_n3A_330 = arith.select %gt3A_326, %broadcast_in_dim3A_329, %broadcast_in_dim3A_79 : vector<16xi1>, vector<16xi32>
        %get3A_331 = arith.index_cast %add3A_75 : i32 to index
        %get3A_332 = arith.constant 512 : index
        %get3A_333 = tpu.vector_load %arg4[%get3A_331, %get3A_332] {strides = array<i32>} : memref<16x1000xf32, #tpu.memory_space<vmem>>, vector<16xf32>,
        %gt3A_334 = arith.cmpf ogt, %get3A_333, %max3A_327 : vector<16xf32>
        %max3A_335 = arith.maximumf %max3A_327, %get3A_333 : vector<16xf32>
        %jit3A_336 = arith.constant 32 : i32
        %broadcast_in_dim3A_337 = vector.broadcast %jit3A_336 : i32 to vector<16xi32>
        %select_n3A_338 = arith.select %gt3A_334, %broadcast_in_dim3A_337, %select_n3A_330 : vector<16xi1>, vector<16xi32>
        %get3A_339 = arith.index_cast %add3A_75 : i32 to index
        %get3A_340 = arith.constant 528 : index
        %get3A_341 = tpu.vector_load %arg4[%get3A_339, %get3A_340] {strides = array<i32>} : memref<16x1000xf32, #tpu.memory_space<vmem>>, vector<16xf32>,
        %gt3A_342 = arith.cmpf ogt, %get3A_341, %max3A_335 : vector<16xf32>
        %max3A_343 = arith.maximumf %max3A_335, %get3A_341 : vector<16xf32>
        %jit3A_344 = arith.constant 33 : i32
        %broadcast_in_dim3A_345 = vector.broadcast %jit3A_344 : i32 to vector<16xi32>
        %select_n3A_346 = arith.select %gt3A_342, %broadcast_in_dim3A_345, %select_n3A_338 : vector<16xi1>, vector<16xi32>
        %get3A_347 = arith.index_cast %add3A_75 : i32 to index
        %get3A_348 = arith.constant 544 : index
        %get3A_349 = tpu.vector_load %arg4[%get3A_347, %get3A_348] {strides = array<i32>} : memref<16x1000xf32, #tpu.memory_space<vmem>>, vector<16xf32>,
        %gt3A_350 = arith.cmpf ogt, %get3A_349, %max3A_343 : vector<16xf32>
        %max3A_351 = arith.maximumf %max3A_343, %get3A_349 : vector<16xf32>
        %jit3A_352 = arith.constant 34 : i32
        %broadcast_in_dim3A_353 = vector.broadcast %jit3A_352 : i32 to vector<16xi32>
        %select_n3A_354 = arith.select %gt3A_350, %broadcast_in_dim3A_353, %select_n3A_346 : vector<16xi1>, vector<16xi32>
        %get3A_355 = arith.index_cast %add3A_75 : i32 to index
        %get3A_356 = arith.constant 560 : index
        %get3A_357 = tpu.vector_load %arg4[%get3A_355, %get3A_356] {strides = array<i32>} : memref<16x1000xf32, #tpu.memory_space<vmem>>, vector<16xf32>,
        %gt3A_358 = arith.cmpf ogt, %get3A_357, %max3A_351 : vector<16xf32>
        %max3A_359 = arith.maximumf %max3A_351, %get3A_357 : vector<16xf32>
        %jit3A_360 = arith.constant 35 : i32
        %broadcast_in_dim3A_361 = vector.broadcast %jit3A_360 : i32 to vector<16xi32>
        %select_n3A_362 = arith.select %gt3A_358, %broadcast_in_dim3A_361, %select_n3A_354 : vector<16xi1>, vector<16xi32>
        %get3A_363 = arith.index_cast %add3A_75 : i32 to index
        %get3A_364 = arith.constant 576 : index
        %get3A_365 = tpu.vector_load %arg4[%get3A_363, %get3A_364] {strides = array<i32>} : memref<16x1000xf32, #tpu.memory_space<vmem>>, vector<16xf32>,
        %gt3A_366 = arith.cmpf ogt, %get3A_365, %max3A_359 : vector<16xf32>
        %max3A_367 = arith.maximumf %max3A_359, %get3A_365 : vector<16xf32>
        %jit3A_368 = arith.constant 36 : i32
        %broadcast_in_dim3A_369 = vector.broadcast %jit3A_368 : i32 to vector<16xi32>
        %select_n3A_370 = arith.select %gt3A_366, %broadcast_in_dim3A_369, %select_n3A_362 : vector<16xi1>, vector<16xi32>
        %get3A_371 = arith.index_cast %add3A_75 : i32 to index
        %get3A_372 = arith.constant 592 : index
        %get3A_373 = tpu.vector_load %arg4[%get3A_371, %get3A_372] {strides = array<i32>} : memref<16x1000xf32, #tpu.memory_space<vmem>>, vector<16xf32>,
        %gt3A_374 = arith.cmpf ogt, %get3A_373, %max3A_367 : vector<16xf32>
        %max3A_375 = arith.maximumf %max3A_367, %get3A_373 : vector<16xf32>
        %jit3A_376 = arith.constant 37 : i32
        %broadcast_in_dim3A_377 = vector.broadcast %jit3A_376 : i32 to vector<16xi32>
        %select_n3A_378 = arith.select %gt3A_374, %broadcast_in_dim3A_377, %select_n3A_370 : vector<16xi1>, vector<16xi32>
        %get3A_379 = arith.index_cast %add3A_75 : i32 to index
        %get3A_380 = arith.constant 608 : index
        %get3A_381 = tpu.vector_load %arg4[%get3A_379, %get3A_380] {strides = array<i32>} : memref<16x1000xf32, #tpu.memory_space<vmem>>, vector<16xf32>,
        %gt3A_382 = arith.cmpf ogt, %get3A_381, %max3A_375 : vector<16xf32>
        %max3A_383 = arith.maximumf %max3A_375, %get3A_381 : vector<16xf32>
        %jit3A_384 = arith.constant 38 : i32
        %broadcast_in_dim3A_385 = vector.broadcast %jit3A_384 : i32 to vector<16xi32>
        %select_n3A_386 = arith.select %gt3A_382, %broadcast_in_dim3A_385, %select_n3A_378 : vector<16xi1>, vector<16xi32>
        %get3A_387 = arith.index_cast %add3A_75 : i32 to index
        %get3A_388 = arith.constant 624 : index
        %get3A_389 = tpu.vector_load %arg4[%get3A_387, %get3A_388] {strides = array<i32>} : memref<16x1000xf32, #tpu.memory_space<vmem>>, vector<16xf32>,
        %gt3A_390 = arith.cmpf ogt, %get3A_389, %max3A_383 : vector<16xf32>
        %max3A_391 = arith.maximumf %max3A_383, %get3A_389 : vector<16xf32>
        %jit3A_392 = arith.constant 39 : i32
        %broadcast_in_dim3A_393 = vector.broadcast %jit3A_392 : i32 to vector<16xi32>
        %select_n3A_394 = arith.select %gt3A_390, %broadcast_in_dim3A_393, %select_n3A_386 : vector<16xi1>, vector<16xi32>
        %get3A_395 = arith.index_cast %add3A_75 : i32 to index
        %get3A_396 = arith.constant 640 : index
        %get3A_397 = tpu.vector_load %arg4[%get3A_395, %get3A_396] {strides = array<i32>} : memref<16x1000xf32, #tpu.memory_space<vmem>>, vector<16xf32>,
        %gt3A_398 = arith.cmpf ogt, %get3A_397, %max3A_391 : vector<16xf32>
        %max3A_399 = arith.maximumf %max3A_391, %get3A_397 : vector<16xf32>
        %jit3A_400 = arith.constant 40 : i32
        %broadcast_in_dim3A_401 = vector.broadcast %jit3A_400 : i32 to vector<16xi32>
        %select_n3A_402 = arith.select %gt3A_398, %broadcast_in_dim3A_401, %select_n3A_394 : vector<16xi1>, vector<16xi32>
        %get3A_403 = arith.index_cast %add3A_75 : i32 to index
        %get3A_404 = arith.constant 656 : index
        %get3A_405 = tpu.vector_load %arg4[%get3A_403, %get3A_404] {strides = array<i32>} : memref<16x1000xf32, #tpu.memory_space<vmem>>, vector<16xf32>,
        %gt3A_406 = arith.cmpf ogt, %get3A_405, %max3A_399 : vector<16xf32>
        %max3A_407 = arith.maximumf %max3A_399, %get3A_405 : vector<16xf32>
        %jit3A_408 = arith.constant 41 : i32
        %broadcast_in_dim3A_409 = vector.broadcast %jit3A_408 : i32 to vector<16xi32>
        %select_n3A_410 = arith.select %gt3A_406, %broadcast_in_dim3A_409, %select_n3A_402 : vector<16xi1>, vector<16xi32>
        %get3A_411 = arith.index_cast %add3A_75 : i32 to index
        %get3A_412 = arith.constant 672 : index
        %get3A_413 = tpu.vector_load %arg4[%get3A_411, %get3A_412] {strides = array<i32>} : memref<16x1000xf32, #tpu.memory_space<vmem>>, vector<16xf32>,
        %gt3A_414 = arith.cmpf ogt, %get3A_413, %max3A_407 : vector<16xf32>
        %max3A_415 = arith.maximumf %max3A_407, %get3A_413 : vector<16xf32>
        %jit3A_416 = arith.constant 42 : i32
        %broadcast_in_dim3A_417 = vector.broadcast %jit3A_416 : i32 to vector<16xi32>
        %select_n3A_418 = arith.select %gt3A_414, %broadcast_in_dim3A_417, %select_n3A_410 : vector<16xi1>, vector<16xi32>
        %get3A_419 = arith.index_cast %add3A_75 : i32 to index
        %get3A_420 = arith.constant 688 : index
        %get3A_421 = tpu.vector_load %arg4[%get3A_419, %get3A_420] {strides = array<i32>} : memref<16x1000xf32, #tpu.memory_space<vmem>>, vector<16xf32>,
        %gt3A_422 = arith.cmpf ogt, %get3A_421, %max3A_415 : vector<16xf32>
        %max3A_423 = arith.maximumf %max3A_415, %get3A_421 : vector<16xf32>
        %jit3A_424 = arith.constant 43 : i32
        %broadcast_in_dim3A_425 = vector.broadcast %jit3A_424 : i32 to vector<16xi32>
        %select_n3A_426 = arith.select %gt3A_422, %broadcast_in_dim3A_425, %select_n3A_418 : vector<16xi1>, vector<16xi32>
        %get3A_427 = arith.index_cast %add3A_75 : i32 to index
        %get3A_428 = arith.constant 704 : index
        %get3A_429 = tpu.vector_load %arg4[%get3A_427, %get3A_428] {strides = array<i32>} : memref<16x1000xf32, #tpu.memory_space<vmem>>, vector<16xf32>,
        %gt3A_430 = arith.cmpf ogt, %get3A_429, %max3A_423 : vector<16xf32>
        %max3A_431 = arith.maximumf %max3A_423, %get3A_429 : vector<16xf32>
        %jit3A_432 = arith.constant 44 : i32
        %broadcast_in_dim3A_433 = vector.broadcast %jit3A_432 : i32 to vector<16xi32>
        %select_n3A_434 = arith.select %gt3A_430, %broadcast_in_dim3A_433, %select_n3A_426 : vector<16xi1>, vector<16xi32>
        %get3A_435 = arith.index_cast %add3A_75 : i32 to index
        %get3A_436 = arith.constant 720 : index
        %get3A_437 = tpu.vector_load %arg4[%get3A_435, %get3A_436] {strides = array<i32>} : memref<16x1000xf32, #tpu.memory_space<vmem>>, vector<16xf32>,
        %gt3A_438 = arith.cmpf ogt, %get3A_437, %max3A_431 : vector<16xf32>
        %max3A_439 = arith.maximumf %max3A_431, %get3A_437 : vector<16xf32>
        %jit3A_440 = arith.constant 45 : i32
        %broadcast_in_dim3A_441 = vector.broadcast %jit3A_440 : i32 to vector<16xi32>
        %select_n3A_442 = arith.select %gt3A_438, %broadcast_in_dim3A_441, %select_n3A_434 : vector<16xi1>, vector<16xi32>
        %get3A_443 = arith.index_cast %add3A_75 : i32 to index
        %get3A_444 = arith.constant 736 : index
        %get3A_445 = tpu.vector_load %arg4[%get3A_443, %get3A_444] {strides = array<i32>} : memref<16x1000xf32, #tpu.memory_space<vmem>>, vector<16xf32>,
        %gt3A_446 = arith.cmpf ogt, %get3A_445, %max3A_439 : vector<16xf32>
        %max3A_447 = arith.maximumf %max3A_439, %get3A_445 : vector<16xf32>
        %jit3A_448 = arith.constant 46 : i32
        %broadcast_in_dim3A_449 = vector.broadcast %jit3A_448 : i32 to vector<16xi32>
        %select_n3A_450 = arith.select %gt3A_446, %broadcast_in_dim3A_449, %select_n3A_442 : vector<16xi1>, vector<16xi32>
        %get3A_451 = arith.index_cast %add3A_75 : i32 to index
        %get3A_452 = arith.constant 752 : index
        %get3A_453 = tpu.vector_load %arg4[%get3A_451, %get3A_452] {strides = array<i32>} : memref<16x1000xf32, #tpu.memory_space<vmem>>, vector<16xf32>,
        %gt3A_454 = arith.cmpf ogt, %get3A_453, %max3A_447 : vector<16xf32>
        %max3A_455 = arith.maximumf %max3A_447, %get3A_453 : vector<16xf32>
        %jit3A_456 = arith.constant 47 : i32
        %broadcast_in_dim3A_457 = vector.broadcast %jit3A_456 : i32 to vector<16xi32>
        %select_n3A_458 = arith.select %gt3A_454, %broadcast_in_dim3A_457, %select_n3A_450 : vector<16xi1>, vector<16xi32>
        %get3A_459 = arith.index_cast %add3A_75 : i32 to index
        %get3A_460 = arith.constant 768 : index
        %get3A_461 = tpu.vector_load %arg4[%get3A_459, %get3A_460] {strides = array<i32>} : memref<16x1000xf32, #tpu.memory_space<vmem>>, vector<16xf32>,
        %gt3A_462 = arith.cmpf ogt, %get3A_461, %max3A_455 : vector<16xf32>
        %max3A_463 = arith.maximumf %max3A_455, %get3A_461 : vector<16xf32>
        %jit3A_464 = arith.constant 48 : i32
        %broadcast_in_dim3A_465 = vector.broadcast %jit3A_464 : i32 to vector<16xi32>
        %select_n3A_466 = arith.select %gt3A_462, %broadcast_in_dim3A_465, %select_n3A_458 : vector<16xi1>, vector<16xi32>
        %get3A_467 = arith.index_cast %add3A_75 : i32 to index
        %get3A_468 = arith.constant 784 : index
        %get3A_469 = tpu.vector_load %arg4[%get3A_467, %get3A_468] {strides = array<i32>} : memref<16x1000xf32, #tpu.memory_space<vmem>>, vector<16xf32>,
        %gt3A_470 = arith.cmpf ogt, %get3A_469, %max3A_463 : vector<16xf32>
        %max3A_471 = arith.maximumf %max3A_463, %get3A_469 : vector<16xf32>
        %jit3A_472 = arith.constant 49 : i32
        %broadcast_in_dim3A_473 = vector.broadcast %jit3A_472 : i32 to vector<16xi32>
        %select_n3A_474 = arith.select %gt3A_470, %broadcast_in_dim3A_473, %select_n3A_466 : vector<16xi1>, vector<16xi32>
        %get3A_475 = arith.index_cast %add3A_75 : i32 to index
        %get3A_476 = arith.constant 800 : index
        %get3A_477 = tpu.vector_load %arg4[%get3A_475, %get3A_476] {strides = array<i32>} : memref<16x1000xf32, #tpu.memory_space<vmem>>, vector<16xf32>,
        %gt3A_478 = arith.cmpf ogt, %get3A_477, %max3A_471 : vector<16xf32>
        %max3A_479 = arith.maximumf %max3A_471, %get3A_477 : vector<16xf32>
        %jit3A_480 = arith.constant 50 : i32
        %broadcast_in_dim3A_481 = vector.broadcast %jit3A_480 : i32 to vector<16xi32>
        %select_n3A_482 = arith.select %gt3A_478, %broadcast_in_dim3A_481, %select_n3A_474 : vector<16xi1>, vector<16xi32>
        %get3A_483 = arith.index_cast %add3A_75 : i32 to index
        %get3A_484 = arith.constant 816 : index
        %get3A_485 = tpu.vector_load %arg4[%get3A_483, %get3A_484] {strides = array<i32>} : memref<16x1000xf32, #tpu.memory_space<vmem>>, vector<16xf32>,
        %gt3A_486 = arith.cmpf ogt, %get3A_485, %max3A_479 : vector<16xf32>
        %max3A_487 = arith.maximumf %max3A_479, %get3A_485 : vector<16xf32>
        %jit3A_488 = arith.constant 51 : i32
        %broadcast_in_dim3A_489 = vector.broadcast %jit3A_488 : i32 to vector<16xi32>
        %select_n3A_490 = arith.select %gt3A_486, %broadcast_in_dim3A_489, %select_n3A_482 : vector<16xi1>, vector<16xi32>
        %get3A_491 = arith.index_cast %add3A_75 : i32 to index
        %get3A_492 = arith.constant 832 : index
        %get3A_493 = tpu.vector_load %arg4[%get3A_491, %get3A_492] {strides = array<i32>} : memref<16x1000xf32, #tpu.memory_space<vmem>>, vector<16xf32>,
        %gt3A_494 = arith.cmpf ogt, %get3A_493, %max3A_487 : vector<16xf32>
        %max3A_495 = arith.maximumf %max3A_487, %get3A_493 : vector<16xf32>
        %jit3A_496 = arith.constant 52 : i32
        %broadcast_in_dim3A_497 = vector.broadcast %jit3A_496 : i32 to vector<16xi32>
        %select_n3A_498 = arith.select %gt3A_494, %broadcast_in_dim3A_497, %select_n3A_490 : vector<16xi1>, vector<16xi32>
        %get3A_499 = arith.index_cast %add3A_75 : i32 to index
        %get3A_500 = arith.constant 848 : index
        %get3A_501 = tpu.vector_load %arg4[%get3A_499, %get3A_500] {strides = array<i32>} : memref<16x1000xf32, #tpu.memory_space<vmem>>, vector<16xf32>,
        %gt3A_502 = arith.cmpf ogt, %get3A_501, %max3A_495 : vector<16xf32>
        %max3A_503 = arith.maximumf %max3A_495, %get3A_501 : vector<16xf32>
        %jit3A_504 = arith.constant 53 : i32
        %broadcast_in_dim3A_505 = vector.broadcast %jit3A_504 : i32 to vector<16xi32>
        %select_n3A_506 = arith.select %gt3A_502, %broadcast_in_dim3A_505, %select_n3A_498 : vector<16xi1>, vector<16xi32>
        %get3A_507 = arith.index_cast %add3A_75 : i32 to index
        %get3A_508 = arith.constant 864 : index
        %get3A_509 = tpu.vector_load %arg4[%get3A_507, %get3A_508] {strides = array<i32>} : memref<16x1000xf32, #tpu.memory_space<vmem>>, vector<16xf32>,
        %gt3A_510 = arith.cmpf ogt, %get3A_509, %max3A_503 : vector<16xf32>
        %max3A_511 = arith.maximumf %max3A_503, %get3A_509 : vector<16xf32>
        %jit3A_512 = arith.constant 54 : i32
        %broadcast_in_dim3A_513 = vector.broadcast %jit3A_512 : i32 to vector<16xi32>
        %select_n3A_514 = arith.select %gt3A_510, %broadcast_in_dim3A_513, %select_n3A_506 : vector<16xi1>, vector<16xi32>
        %get3A_515 = arith.index_cast %add3A_75 : i32 to index
        %get3A_516 = arith.constant 880 : index
        %get3A_517 = tpu.vector_load %arg4[%get3A_515, %get3A_516] {strides = array<i32>} : memref<16x1000xf32, #tpu.memory_space<vmem>>, vector<16xf32>,
        %gt3A_518 = arith.cmpf ogt, %get3A_517, %max3A_511 : vector<16xf32>
        %max3A_519 = arith.maximumf %max3A_511, %get3A_517 : vector<16xf32>
        %jit3A_520 = arith.constant 55 : i32
        %broadcast_in_dim3A_521 = vector.broadcast %jit3A_520 : i32 to vector<16xi32>
        %select_n3A_522 = arith.select %gt3A_518, %broadcast_in_dim3A_521, %select_n3A_514 : vector<16xi1>, vector<16xi32>
        %get3A_523 = arith.index_cast %add3A_75 : i32 to index
        %get3A_524 = arith.constant 896 : index
        %get3A_525 = tpu.vector_load %arg4[%get3A_523, %get3A_524] {strides = array<i32>} : memref<16x1000xf32, #tpu.memory_space<vmem>>, vector<16xf32>,
        %gt3A_526 = arith.cmpf ogt, %get3A_525, %max3A_519 : vector<16xf32>
        %max3A_527 = arith.maximumf %max3A_519, %get3A_525 : vector<16xf32>
        %jit3A_528 = arith.constant 56 : i32
        %broadcast_in_dim3A_529 = vector.broadcast %jit3A_528 : i32 to vector<16xi32>
        %select_n3A_530 = arith.select %gt3A_526, %broadcast_in_dim3A_529, %select_n3A_522 : vector<16xi1>, vector<16xi32>
        %get3A_531 = arith.index_cast %add3A_75 : i32 to index
        %get3A_532 = arith.constant 912 : index
        %get3A_533 = tpu.vector_load %arg4[%get3A_531, %get3A_532] {strides = array<i32>} : memref<16x1000xf32, #tpu.memory_space<vmem>>, vector<16xf32>,
        %gt3A_534 = arith.cmpf ogt, %get3A_533, %max3A_527 : vector<16xf32>
        %max3A_535 = arith.maximumf %max3A_527, %get3A_533 : vector<16xf32>
        %jit3A_536 = arith.constant 57 : i32
        %broadcast_in_dim3A_537 = vector.broadcast %jit3A_536 : i32 to vector<16xi32>
        %select_n3A_538 = arith.select %gt3A_534, %broadcast_in_dim3A_537, %select_n3A_530 : vector<16xi1>, vector<16xi32>
        %get3A_539 = arith.index_cast %add3A_75 : i32 to index
        %get3A_540 = arith.constant 928 : index
        %get3A_541 = tpu.vector_load %arg4[%get3A_539, %get3A_540] {strides = array<i32>} : memref<16x1000xf32, #tpu.memory_space<vmem>>, vector<16xf32>,
        %gt3A_542 = arith.cmpf ogt, %get3A_541, %max3A_535 : vector<16xf32>
        %max3A_543 = arith.maximumf %max3A_535, %get3A_541 : vector<16xf32>
        %jit3A_544 = arith.constant 58 : i32
        %broadcast_in_dim3A_545 = vector.broadcast %jit3A_544 : i32 to vector<16xi32>
        %select_n3A_546 = arith.select %gt3A_542, %broadcast_in_dim3A_545, %select_n3A_538 : vector<16xi1>, vector<16xi32>
        %get3A_547 = arith.index_cast %add3A_75 : i32 to index
        %get3A_548 = arith.constant 944 : index
        %get3A_549 = tpu.vector_load %arg4[%get3A_547, %get3A_548] {strides = array<i32>} : memref<16x1000xf32, #tpu.memory_space<vmem>>, vector<16xf32>,
        %gt3A_550 = arith.cmpf ogt, %get3A_549, %max3A_543 : vector<16xf32>
        %max3A_551 = arith.maximumf %max3A_543, %get3A_549 : vector<16xf32>
        %jit3A_552 = arith.constant 59 : i32
        %broadcast_in_dim3A_553 = vector.broadcast %jit3A_552 : i32 to vector<16xi32>
        %select_n3A_554 = arith.select %gt3A_550, %broadcast_in_dim3A_553, %select_n3A_546 : vector<16xi1>, vector<16xi32>
        %get3A_555 = arith.index_cast %add3A_75 : i32 to index
        %get3A_556 = arith.constant 960 : index
        %get3A_557 = tpu.vector_load %arg4[%get3A_555, %get3A_556] {strides = array<i32>} : memref<16x1000xf32, #tpu.memory_space<vmem>>, vector<16xf32>,
        %gt3A_558 = arith.cmpf ogt, %get3A_557, %max3A_551 : vector<16xf32>
        %max3A_559 = arith.maximumf %max3A_551, %get3A_557 : vector<16xf32>
        %jit3A_560 = arith.constant 60 : i32
        %broadcast_in_dim3A_561 = vector.broadcast %jit3A_560 : i32 to vector<16xi32>
        %select_n3A_562 = arith.select %gt3A_558, %broadcast_in_dim3A_561, %select_n3A_554 : vector<16xi1>, vector<16xi32>
        %get3A_563 = arith.index_cast %add3A_75 : i32 to index
        %get3A_564 = arith.constant 976 : index
        %get3A_565 = tpu.vector_load %arg4[%get3A_563, %get3A_564] {strides = array<i32>} : memref<16x1000xf32, #tpu.memory_space<vmem>>, vector<16xf32>,
        %gt3A_566 = arith.cmpf ogt, %get3A_565, %max3A_559 : vector<16xf32>
        %max3A_567 = arith.maximumf %max3A_559, %get3A_565 : vector<16xf32>
        %jit3A_568 = arith.constant 61 : i32
        %broadcast_in_dim3A_569 = vector.broadcast %jit3A_568 : i32 to vector<16xi32>
        %select_n3A_570 = arith.select %gt3A_566, %broadcast_in_dim3A_569, %select_n3A_562 : vector<16xi1>, vector<16xi32>
        %gt3A_571 = arith.cmpf ogt, %max3A_567, %max3A_319 : vector<16xf32>
        %max3A_572 = arith.maximumf %max3A_319, %max3A_567 : vector<16xf32>
        %select_n3A_573 = arith.select %gt3A_571, %select_n3A_570, %select_n3A_322 : vector<16xi1>, vector<16xi32>
        %get3A_574 = arith.index_cast %add3A_75 : i32 to index
        %get3A_575 = arith.constant 984 : index
        %get3A_576 = tpu.vector_load %arg4[%get3A_574, %get3A_575] {strides = array<i32>} : memref<16x1000xf32, #tpu.memory_space<vmem>>, vector<16xf32>,
        %ge3A = arith.constant 8 : i32
        %ge3A_577 = vector.broadcast %ge3A : i32 to vector<16xi32>
        %ge3A_578 = arith.cmpi sge, %iota3A, %ge3A_577 : vector<16xi32>
        %jit3A_579 = arith.constant 0xFF800000 : f32
        %broadcast_in_dim3A_580 = vector.broadcast %jit3A_579 : f32 to vector<16xf32>
        %select_n3A_581 = arith.select %ge3A_578, %get3A_576, %broadcast_in_dim3A_580 : vector<16xi1>, vector<16xf32>
        %gt3A_582 = arith.cmpf ogt, %select_n3A_581, %max3A_572 : vector<16xf32>
        %max3A_583 = arith.maximumf %max3A_572, %select_n3A_581 : vector<16xf32>
        %jit3A_584 = arith.constant 62 : i32
        %broadcast_in_dim3A_585 = vector.broadcast %jit3A_584 : i32 to vector<16xi32>
        %select_n3A_586 = arith.select %gt3A_582, %broadcast_in_dim3A_585, %select_n3A_573 : vector<16xi1>, vector<16xi32>
        %mul3A_587 = arith.constant 16 : i32
        %mul3A_588 = vector.broadcast %mul3A_587 : i32 to vector<16xi32>
        %mul3A_589 = arith.muli %select_n3A_586, %mul3A_588 : vector<16xi32>
        %add3A_590 = arith.addi %mul3A_589, %iota3A : vector<16xi32>
        %eq3A = arith.constant 62 : i32
        %eq3A_591 = vector.broadcast %eq3A : i32 to vector<16xi32>
        %eq3A_592 = arith.cmpi eq, %select_n3A_586, %eq3A_591 : vector<16xi32>
        %sub3A = arith.constant 8 : i32
        %sub3A_593 = vector.broadcast %sub3A : i32 to vector<16xi32>
        %sub3A_594 = arith.subi %add3A_590, %sub3A_593 : vector<16xi32>
        %select_n3A_595 = arith.select %eq3A_592, %sub3A_594, %add3A_590 : vector<16xi1>, vector<16xi32>
        %xor3A = arith.constant 1 : i32
        %xor3A_596 = vector.broadcast %xor3A : i32 to vector<16xi32>
        %xor3A_597 = arith.xori %iota3A, %xor3A_596 : vector<16xi32>
        %broadcast_in_dim3A_598 = vector.shape_cast %xor3A_597 : vector<16xi32> to vector<16x1xi32>
        %gather3A = vector.shape_cast %broadcast_in_dim3A_598 : vector<16x1xi32> to vector<16xi32>
        %gather3A_599 = tpu.dynamic_gather %max3A_583[%gather3A] in [0] : vector<16xf32>, vector<16xi32> -> vector<16xf32>
        %max3A_600 = arith.maximumf %max3A_583, %gather3A_599 : vector<16xf32>
        %xor3A_601 = arith.constant 2 : i32
        %xor3A_602 = vector.broadcast %xor3A_601 : i32 to vector<16xi32>
        %xor3A_603 = arith.xori %iota3A, %xor3A_602 : vector<16xi32>
        %broadcast_in_dim3A_604 = vector.shape_cast %xor3A_603 : vector<16xi32> to vector<16x1xi32>
        %gather3A_605 = vector.shape_cast %broadcast_in_dim3A_604 : vector<16x1xi32> to vector<16xi32>
        %gather3A_606 = tpu.dynamic_gather %max3A_600[%gather3A_605] in [0] : vector<16xf32>, vector<16xi32> -> vector<16xf32>
        %max3A_607 = arith.maximumf %max3A_600, %gather3A_606 : vector<16xf32>
        %xor3A_608 = arith.constant 4 : i32
        %xor3A_609 = vector.broadcast %xor3A_608 : i32 to vector<16xi32>
        %xor3A_610 = arith.xori %iota3A, %xor3A_609 : vector<16xi32>
        %broadcast_in_dim3A_611 = vector.shape_cast %xor3A_610 : vector<16xi32> to vector<16x1xi32>
        %gather3A_612 = vector.shape_cast %broadcast_in_dim3A_611 : vector<16x1xi32> to vector<16xi32>
        %gather3A_613 = tpu.dynamic_gather %max3A_607[%gather3A_612] in [0] : vector<16xf32>, vector<16xi32> -> vector<16xf32>
        %max3A_614 = arith.maximumf %max3A_607, %gather3A_613 : vector<16xf32>
        %xor3A_615 = arith.constant 8 : i32
        %xor3A_616 = vector.broadcast %xor3A_615 : i32 to vector<16xi32>
        %xor3A_617 = arith.xori %iota3A, %xor3A_616 : vector<16xi32>
        %broadcast_in_dim3A_618 = vector.shape_cast %xor3A_617 : vector<16xi32> to vector<16x1xi32>
        %gather3A_619 = vector.shape_cast %broadcast_in_dim3A_618 : vector<16x1xi32> to vector<16xi32>
        %gather3A_620 = tpu.dynamic_gather %max3A_614[%gather3A_619] in [0] : vector<16xf32>, vector<16xi32> -> vector<16xf32>
        %max3A_621 = arith.maximumf %max3A_614, %gather3A_620 : vector<16xf32>
        %eq3A_622 = arith.cmpf oeq, %max3A_583, %max3A_621 : vector<16xf32>
        %jit3A_623 = arith.constant 1000 : i32
        %broadcast_in_dim3A_624 = vector.broadcast %jit3A_623 : i32 to vector<16xi32>
        %select_n3A_625 = arith.select %eq3A_622, %select_n3A_595, %broadcast_in_dim3A_624 : vector<16xi1>, vector<16xi32>
        %xor3A_626 = arith.constant 1 : i32
        %xor3A_627 = vector.broadcast %xor3A_626 : i32 to vector<16xi32>
        %xor3A_628 = arith.xori %iota3A, %xor3A_627 : vector<16xi32>
        %broadcast_in_dim3A_629 = vector.shape_cast %xor3A_628 : vector<16xi32> to vector<16x1xi32>
        %gather3A_630 = vector.shape_cast %broadcast_in_dim3A_629 : vector<16x1xi32> to vector<16xi32>
        %gather3A_631 = tpu.dynamic_gather %select_n3A_625[%gather3A_630] in [0] : vector<16xi32>, vector<16xi32> -> vector<16xi32>
        %min3A = arith.minsi %select_n3A_625, %gather3A_631 : vector<16xi32>
        %xor3A_632 = arith.constant 2 : i32
        %xor3A_633 = vector.broadcast %xor3A_632 : i32 to vector<16xi32>
        %xor3A_634 = arith.xori %iota3A, %xor3A_633 : vector<16xi32>
        %broadcast_in_dim3A_635 = vector.shape_cast %xor3A_634 : vector<16xi32> to vector<16x1xi32>
        %gather3A_636 = vector.shape_cast %broadcast_in_dim3A_635 : vector<16x1xi32> to vector<16xi32>
        %gather3A_637 = tpu.dynamic_gather %min3A[%gather3A_636] in [0] : vector<16xi32>, vector<16xi32> -> vector<16xi32>
        %min3A_638 = arith.minsi %min3A, %gather3A_637 : vector<16xi32>
        %xor3A_639 = arith.constant 4 : i32
        %xor3A_640 = vector.broadcast %xor3A_639 : i32 to vector<16xi32>
        %xor3A_641 = arith.xori %iota3A, %xor3A_640 : vector<16xi32>
        %broadcast_in_dim3A_642 = vector.shape_cast %xor3A_641 : vector<16xi32> to vector<16x1xi32>
        %gather3A_643 = vector.shape_cast %broadcast_in_dim3A_642 : vector<16x1xi32> to vector<16xi32>
        %gather3A_644 = tpu.dynamic_gather %min3A_638[%gather3A_643] in [0] : vector<16xi32>, vector<16xi32> -> vector<16xi32>
        %min3A_645 = arith.minsi %min3A_638, %gather3A_644 : vector<16xi32>
        %xor3A_646 = arith.constant 8 : i32
        %xor3A_647 = vector.broadcast %xor3A_646 : i32 to vector<16xi32>
        %xor3A_648 = arith.xori %iota3A, %xor3A_647 : vector<16xi32>
        %broadcast_in_dim3A_649 = vector.shape_cast %xor3A_648 : vector<16xi32> to vector<16x1xi32>
        %gather3A_650 = vector.shape_cast %broadcast_in_dim3A_649 : vector<16x1xi32> to vector<16xi32>
        %gather3A_651 = tpu.dynamic_gather %min3A_645[%gather3A_650] in [0] : vector<16xi32>, vector<16xi32> -> vector<16xi32>
        %min3A_652 = arith.minsi %min3A_645, %gather3A_651 : vector<16xi32>
        %eq3A_653 = vector.broadcast %scan3A_72 : i32 to vector<16xi32>
        %eq3A_654 = arith.cmpi eq, %iota3A, %eq3A_653 : vector<16xi32>
        %select_n3A_655 = arith.select %eq3A_654, %min3A_652, %scan3A_73 : vector<16xi1>, vector<16xi32>
        scf.yield %select_n3A_655 : vector<16xi32>
      }
      %scan3A_37 = arith.constant 16 : i32
      %mul3A_38 = arith.constant 16 : i32
      %mul3A_39 = arith.muli %mul3A_15, %mul3A_38 : i32
      %add3A_40 = arith.constant 0 : i32
      %add3A_41 = arith.addi %mul3A_39, %add3A_40 : i32
      %swap3A = arith.index_cast %add3A_41 : i32 to index
      %swap3A_42 = tpu.vector_load %arg6[%swap3A] {strides = array<i32>} : memref<512xi32, #tpu.memory_space<vmem>>, vector<16xi32>,
      tpu.vector_store %arg6[%swap3A], %scan3A_36 {strides = array<i32>} : memref<512xi32, #tpu.memory_space<vmem>>, vector<16xi32>,
      %add3A_43 = arith.constant 2 : i32
      %add3A_44 = arith.addi %mul3A_15, %add3A_43 : i32
      %lt3A = arith.constant 32 : i32
      %lt3A_45 = arith.cmpi slt, %add3A_44, %lt3A : i32
      %convert_element_type3A = arith.extui %lt3A_45 : i1 to i32
      %cond3A = arith.constant 0 : i32
      %cond3A_46 = arith.cmpi ne, %convert_element_type3A, %cond3A : i32
      scf.if %cond3A_46 {
        %add3A_72 = arith.constant 2 : i32
        %add3A_73 = arith.addi %mul3A_15, %add3A_72 : i32
        %mul3A_74 = arith.constant 16 : i32
        %mul3A_75 = arith.muli %add3A_73, %mul3A_74 : i32
        %add3A_76 = arith.addi %mul3A_2, %mul3A_75 : i32
        %dma_start3A_77 = arith.constant 0 : i32
        %dma_start3A_78 = tpu.memref_slice %arg2[%add3A_76, %dma_start3A_77] : memref<16384x1000xf32, #tpu.memory_space<hbm>> -> memref<16x1000xf32, #tpu.memory_space<hbm>>
        %dma_start3A_79 = arith.constant 0 : i32
        %dma_start3A_80 = tpu.memref_slice %arg2[%add3A_76, %dma_start3A_79] : memref<16384x1000xf32, #tpu.memory_space<hbm>> -> memref<16x1000xf32, #tpu.memory_space<hbm>>
        tpu.enqueue_dma source(%dma_start3A_80 : memref<16x1000xf32, #tpu.memory_space<hbm>>) target(%arg4 : memref<16x1000xf32, #tpu.memory_space<vmem>>) target_semaphore(%arg7 : memref<!tpu.dma_semaphore, #tpu.memory_space<semaphore_mem>>)
      } else {
      }
      %add3A_47 = arith.constant 1 : i32
      %add3A_48 = arith.addi %mul3A_15, %add3A_47 : i32
      %mul3A_49 = arith.constant 16 : i32
      %mul3A_50 = arith.muli %add3A_48, %mul3A_49 : i32
      %add3A_51 = arith.addi %mul3A_2, %mul3A_50 : i32
      %dma_wait3A_52 = arith.constant 0 : i32
      %dma_wait3A_53 = tpu.memref_slice %arg2[%add3A_51, %dma_wait3A_52] : memref<16384x1000xf32, #tpu.memory_space<hbm>> -> memref<16x1000xf32, #tpu.memory_space<hbm>>
      %dma_wait3A_54 = arith.constant 0 : i32
      %dma_wait3A_55 = tpu.memref_slice %arg2[%add3A_51, %dma_wait3A_54] : memref<16384x1000xf32, #tpu.memory_space<hbm>> -> memref<16x1000xf32, #tpu.memory_space<hbm>>
      tpu.wait_dma2 semaphore(%arg8 : memref<!tpu.dma_semaphore, #tpu.memory_space<semaphore_mem>>) src(%dma_wait3A_55 : memref<16x1000xf32, #tpu.memory_space<hbm>>) dst(%arg5 : memref<16x1000xf32, #tpu.memory_space<vmem>>)
      %add3A_56 = arith.constant 1 : i32
      %add3A_57 = arith.addi %mul3A_15, %add3A_56 : i32
      %broadcast_in_dim3A_58 = arith.constant 0 : i32
      %broadcast_in_dim3A_59 = vector.broadcast %broadcast_in_dim3A_58 : i32 to vector<16xi32>
      %scan3A_60 = arith.constant 0 : i32
      %scan3A_61 = arith.constant 16 : i32
      %scan3A_62 = arith.addi %scan3A_60, %scan3A_61 : i32
      %scan3A_63 = arith.constant 1 : i32
      %scan3A_64 = scf.for %scan3A_72 = %scan3A_60 to %scan3A_62 step %scan3A_63 iter_args(%scan3A_73 = %broadcast_in_dim3A_59) -> (vector<16xi32>)  : i32 {
        %add3A_74 = arith.constant 0 : i32
        %add3A_75 = arith.addi %add3A_74, %scan3A_72 : i32
        %broadcast_in_dim3A_76 = arith.constant 0xFF800000 : f32
        %broadcast_in_dim3A_77 = vector.broadcast %broadcast_in_dim3A_76 : f32 to vector<16xf32>
        %broadcast_in_dim3A_78 = arith.constant 0 : i32
        %broadcast_in_dim3A_79 = vector.broadcast %broadcast_in_dim3A_78 : i32 to vector<16xi32>
        %get3A = arith.index_cast %add3A_75 : i32 to index
        %get3A_80 = arith.constant 0 : index
        %get3A_81 = tpu.vector_load %arg5[%get3A, %get3A_80] {strides = array<i32>} : memref<16x1000xf32, #tpu.memory_space<vmem>>, vector<16xf32>,
        %gt3A = arith.cmpf ogt, %get3A_81, %broadcast_in_dim3A_77 : vector<16xf32>
        %max3A = arith.maximumf %broadcast_in_dim3A_77, %get3A_81 : vector<16xf32>
        %jit3A = arith.constant 0 : i32
        %broadcast_in_dim3A_82 = vector.broadcast %jit3A : i32 to vector<16xi32>
        %select_n3A = arith.select %gt3A, %broadcast_in_dim3A_82, %broadcast_in_dim3A_79 : vector<16xi1>, vector<16xi32>
        %get3A_83 = arith.index_cast %add3A_75 : i32 to index
        %get3A_84 = arith.constant 16 : index
        %get3A_85 = tpu.vector_load %arg5[%get3A_83, %get3A_84] {strides = array<i32>} : memref<16x1000xf32, #tpu.memory_space<vmem>>, vector<16xf32>,
        %gt3A_86 = arith.cmpf ogt, %get3A_85, %max3A : vector<16xf32>
        %max3A_87 = arith.maximumf %max3A, %get3A_85 : vector<16xf32>
        %jit3A_88 = arith.constant 1 : i32
        %broadcast_in_dim3A_89 = vector.broadcast %jit3A_88 : i32 to vector<16xi32>
        %select_n3A_90 = arith.select %gt3A_86, %broadcast_in_dim3A_89, %select_n3A : vector<16xi1>, vector<16xi32>
        %get3A_91 = arith.index_cast %add3A_75 : i32 to index
        %get3A_92 = arith.constant 32 : index
        %get3A_93 = tpu.vector_load %arg5[%get3A_91, %get3A_92] {strides = array<i32>} : memref<16x1000xf32, #tpu.memory_space<vmem>>, vector<16xf32>,
        %gt3A_94 = arith.cmpf ogt, %get3A_93, %max3A_87 : vector<16xf32>
        %max3A_95 = arith.maximumf %max3A_87, %get3A_93 : vector<16xf32>
        %jit3A_96 = arith.constant 2 : i32
        %broadcast_in_dim3A_97 = vector.broadcast %jit3A_96 : i32 to vector<16xi32>
        %select_n3A_98 = arith.select %gt3A_94, %broadcast_in_dim3A_97, %select_n3A_90 : vector<16xi1>, vector<16xi32>
        %get3A_99 = arith.index_cast %add3A_75 : i32 to index
        %get3A_100 = arith.constant 48 : index
        %get3A_101 = tpu.vector_load %arg5[%get3A_99, %get3A_100] {strides = array<i32>} : memref<16x1000xf32, #tpu.memory_space<vmem>>, vector<16xf32>,
        %gt3A_102 = arith.cmpf ogt, %get3A_101, %max3A_95 : vector<16xf32>
        %max3A_103 = arith.maximumf %max3A_95, %get3A_101 : vector<16xf32>
        %jit3A_104 = arith.constant 3 : i32
        %broadcast_in_dim3A_105 = vector.broadcast %jit3A_104 : i32 to vector<16xi32>
        %select_n3A_106 = arith.select %gt3A_102, %broadcast_in_dim3A_105, %select_n3A_98 : vector<16xi1>, vector<16xi32>
        %get3A_107 = arith.index_cast %add3A_75 : i32 to index
        %get3A_108 = arith.constant 64 : index
        %get3A_109 = tpu.vector_load %arg5[%get3A_107, %get3A_108] {strides = array<i32>} : memref<16x1000xf32, #tpu.memory_space<vmem>>, vector<16xf32>,
        %gt3A_110 = arith.cmpf ogt, %get3A_109, %max3A_103 : vector<16xf32>
        %max3A_111 = arith.maximumf %max3A_103, %get3A_109 : vector<16xf32>
        %jit3A_112 = arith.constant 4 : i32
        %broadcast_in_dim3A_113 = vector.broadcast %jit3A_112 : i32 to vector<16xi32>
        %select_n3A_114 = arith.select %gt3A_110, %broadcast_in_dim3A_113, %select_n3A_106 : vector<16xi1>, vector<16xi32>
        %get3A_115 = arith.index_cast %add3A_75 : i32 to index
        %get3A_116 = arith.constant 80 : index
        %get3A_117 = tpu.vector_load %arg5[%get3A_115, %get3A_116] {strides = array<i32>} : memref<16x1000xf32, #tpu.memory_space<vmem>>, vector<16xf32>,
        %gt3A_118 = arith.cmpf ogt, %get3A_117, %max3A_111 : vector<16xf32>
        %max3A_119 = arith.maximumf %max3A_111, %get3A_117 : vector<16xf32>
        %jit3A_120 = arith.constant 5 : i32
        %broadcast_in_dim3A_121 = vector.broadcast %jit3A_120 : i32 to vector<16xi32>
        %select_n3A_122 = arith.select %gt3A_118, %broadcast_in_dim3A_121, %select_n3A_114 : vector<16xi1>, vector<16xi32>
        %get3A_123 = arith.index_cast %add3A_75 : i32 to index
        %get3A_124 = arith.constant 96 : index
        %get3A_125 = tpu.vector_load %arg5[%get3A_123, %get3A_124] {strides = array<i32>} : memref<16x1000xf32, #tpu.memory_space<vmem>>, vector<16xf32>,
        %gt3A_126 = arith.cmpf ogt, %get3A_125, %max3A_119 : vector<16xf32>
        %max3A_127 = arith.maximumf %max3A_119, %get3A_125 : vector<16xf32>
        %jit3A_128 = arith.constant 6 : i32
        %broadcast_in_dim3A_129 = vector.broadcast %jit3A_128 : i32 to vector<16xi32>
        %select_n3A_130 = arith.select %gt3A_126, %broadcast_in_dim3A_129, %select_n3A_122 : vector<16xi1>, vector<16xi32>
        %get3A_131 = arith.index_cast %add3A_75 : i32 to index
        %get3A_132 = arith.constant 112 : index
        %get3A_133 = tpu.vector_load %arg5[%get3A_131, %get3A_132] {strides = array<i32>} : memref<16x1000xf32, #tpu.memory_space<vmem>>, vector<16xf32>,
        %gt3A_134 = arith.cmpf ogt, %get3A_133, %max3A_127 : vector<16xf32>
        %max3A_135 = arith.maximumf %max3A_127, %get3A_133 : vector<16xf32>
        %jit3A_136 = arith.constant 7 : i32
        %broadcast_in_dim3A_137 = vector.broadcast %jit3A_136 : i32 to vector<16xi32>
        %select_n3A_138 = arith.select %gt3A_134, %broadcast_in_dim3A_137, %select_n3A_130 : vector<16xi1>, vector<16xi32>
        %get3A_139 = arith.index_cast %add3A_75 : i32 to index
        %get3A_140 = arith.constant 128 : index
        %get3A_141 = tpu.vector_load %arg5[%get3A_139, %get3A_140] {strides = array<i32>} : memref<16x1000xf32, #tpu.memory_space<vmem>>, vector<16xf32>,
        %gt3A_142 = arith.cmpf ogt, %get3A_141, %max3A_135 : vector<16xf32>
        %max3A_143 = arith.maximumf %max3A_135, %get3A_141 : vector<16xf32>
        %jit3A_144 = arith.constant 8 : i32
        %broadcast_in_dim3A_145 = vector.broadcast %jit3A_144 : i32 to vector<16xi32>
        %select_n3A_146 = arith.select %gt3A_142, %broadcast_in_dim3A_145, %select_n3A_138 : vector<16xi1>, vector<16xi32>
        %get3A_147 = arith.index_cast %add3A_75 : i32 to index
        %get3A_148 = arith.constant 144 : index
        %get3A_149 = tpu.vector_load %arg5[%get3A_147, %get3A_148] {strides = array<i32>} : memref<16x1000xf32, #tpu.memory_space<vmem>>, vector<16xf32>,
        %gt3A_150 = arith.cmpf ogt, %get3A_149, %max3A_143 : vector<16xf32>
        %max3A_151 = arith.maximumf %max3A_143, %get3A_149 : vector<16xf32>
        %jit3A_152 = arith.constant 9 : i32
        %broadcast_in_dim3A_153 = vector.broadcast %jit3A_152 : i32 to vector<16xi32>
        %select_n3A_154 = arith.select %gt3A_150, %broadcast_in_dim3A_153, %select_n3A_146 : vector<16xi1>, vector<16xi32>
        %get3A_155 = arith.index_cast %add3A_75 : i32 to index
        %get3A_156 = arith.constant 160 : index
        %get3A_157 = tpu.vector_load %arg5[%get3A_155, %get3A_156] {strides = array<i32>} : memref<16x1000xf32, #tpu.memory_space<vmem>>, vector<16xf32>,
        %gt3A_158 = arith.cmpf ogt, %get3A_157, %max3A_151 : vector<16xf32>
        %max3A_159 = arith.maximumf %max3A_151, %get3A_157 : vector<16xf32>
        %jit3A_160 = arith.constant 10 : i32
        %broadcast_in_dim3A_161 = vector.broadcast %jit3A_160 : i32 to vector<16xi32>
        %select_n3A_162 = arith.select %gt3A_158, %broadcast_in_dim3A_161, %select_n3A_154 : vector<16xi1>, vector<16xi32>
        %get3A_163 = arith.index_cast %add3A_75 : i32 to index
        %get3A_164 = arith.constant 176 : index
        %get3A_165 = tpu.vector_load %arg5[%get3A_163, %get3A_164] {strides = array<i32>} : memref<16x1000xf32, #tpu.memory_space<vmem>>, vector<16xf32>,
        %gt3A_166 = arith.cmpf ogt, %get3A_165, %max3A_159 : vector<16xf32>
        %max3A_167 = arith.maximumf %max3A_159, %get3A_165 : vector<16xf32>
        %jit3A_168 = arith.constant 11 : i32
        %broadcast_in_dim3A_169 = vector.broadcast %jit3A_168 : i32 to vector<16xi32>
        %select_n3A_170 = arith.select %gt3A_166, %broadcast_in_dim3A_169, %select_n3A_162 : vector<16xi1>, vector<16xi32>
        %get3A_171 = arith.index_cast %add3A_75 : i32 to index
        %get3A_172 = arith.constant 192 : index
        %get3A_173 = tpu.vector_load %arg5[%get3A_171, %get3A_172] {strides = array<i32>} : memref<16x1000xf32, #tpu.memory_space<vmem>>, vector<16xf32>,
        %gt3A_174 = arith.cmpf ogt, %get3A_173, %max3A_167 : vector<16xf32>
        %max3A_175 = arith.maximumf %max3A_167, %get3A_173 : vector<16xf32>
        %jit3A_176 = arith.constant 12 : i32
        %broadcast_in_dim3A_177 = vector.broadcast %jit3A_176 : i32 to vector<16xi32>
        %select_n3A_178 = arith.select %gt3A_174, %broadcast_in_dim3A_177, %select_n3A_170 : vector<16xi1>, vector<16xi32>
        %get3A_179 = arith.index_cast %add3A_75 : i32 to index
        %get3A_180 = arith.constant 208 : index
        %get3A_181 = tpu.vector_load %arg5[%get3A_179, %get3A_180] {strides = array<i32>} : memref<16x1000xf32, #tpu.memory_space<vmem>>, vector<16xf32>,
        %gt3A_182 = arith.cmpf ogt, %get3A_181, %max3A_175 : vector<16xf32>
        %max3A_183 = arith.maximumf %max3A_175, %get3A_181 : vector<16xf32>
        %jit3A_184 = arith.constant 13 : i32
        %broadcast_in_dim3A_185 = vector.broadcast %jit3A_184 : i32 to vector<16xi32>
        %select_n3A_186 = arith.select %gt3A_182, %broadcast_in_dim3A_185, %select_n3A_178 : vector<16xi1>, vector<16xi32>
        %get3A_187 = arith.index_cast %add3A_75 : i32 to index
        %get3A_188 = arith.constant 224 : index
        %get3A_189 = tpu.vector_load %arg5[%get3A_187, %get3A_188] {strides = array<i32>} : memref<16x1000xf32, #tpu.memory_space<vmem>>, vector<16xf32>,
        %gt3A_190 = arith.cmpf ogt, %get3A_189, %max3A_183 : vector<16xf32>
        %max3A_191 = arith.maximumf %max3A_183, %get3A_189 : vector<16xf32>
        %jit3A_192 = arith.constant 14 : i32
        %broadcast_in_dim3A_193 = vector.broadcast %jit3A_192 : i32 to vector<16xi32>
        %select_n3A_194 = arith.select %gt3A_190, %broadcast_in_dim3A_193, %select_n3A_186 : vector<16xi1>, vector<16xi32>
        %get3A_195 = arith.index_cast %add3A_75 : i32 to index
        %get3A_196 = arith.constant 240 : index
        %get3A_197 = tpu.vector_load %arg5[%get3A_195, %get3A_196] {strides = array<i32>} : memref<16x1000xf32, #tpu.memory_space<vmem>>, vector<16xf32>,
        %gt3A_198 = arith.cmpf ogt, %get3A_197, %max3A_191 : vector<16xf32>
        %max3A_199 = arith.maximumf %max3A_191, %get3A_197 : vector<16xf32>
        %jit3A_200 = arith.constant 15 : i32
        %broadcast_in_dim3A_201 = vector.broadcast %jit3A_200 : i32 to vector<16xi32>
        %select_n3A_202 = arith.select %gt3A_198, %broadcast_in_dim3A_201, %select_n3A_194 : vector<16xi1>, vector<16xi32>
        %get3A_203 = arith.index_cast %add3A_75 : i32 to index
        %get3A_204 = arith.constant 256 : index
        %get3A_205 = tpu.vector_load %arg5[%get3A_203, %get3A_204] {strides = array<i32>} : memref<16x1000xf32, #tpu.memory_space<vmem>>, vector<16xf32>,
        %gt3A_206 = arith.cmpf ogt, %get3A_205, %max3A_199 : vector<16xf32>
        %max3A_207 = arith.maximumf %max3A_199, %get3A_205 : vector<16xf32>
        %jit3A_208 = arith.constant 16 : i32
        %broadcast_in_dim3A_209 = vector.broadcast %jit3A_208 : i32 to vector<16xi32>
        %select_n3A_210 = arith.select %gt3A_206, %broadcast_in_dim3A_209, %select_n3A_202 : vector<16xi1>, vector<16xi32>
        %get3A_211 = arith.index_cast %add3A_75 : i32 to index
        %get3A_212 = arith.constant 272 : index
        %get3A_213 = tpu.vector_load %arg5[%get3A_211, %get3A_212] {strides = array<i32>} : memref<16x1000xf32, #tpu.memory_space<vmem>>, vector<16xf32>,
        %gt3A_214 = arith.cmpf ogt, %get3A_213, %max3A_207 : vector<16xf32>
        %max3A_215 = arith.maximumf %max3A_207, %get3A_213 : vector<16xf32>
        %jit3A_216 = arith.constant 17 : i32
        %broadcast_in_dim3A_217 = vector.broadcast %jit3A_216 : i32 to vector<16xi32>
        %select_n3A_218 = arith.select %gt3A_214, %broadcast_in_dim3A_217, %select_n3A_210 : vector<16xi1>, vector<16xi32>
        %get3A_219 = arith.index_cast %add3A_75 : i32 to index
        %get3A_220 = arith.constant 288 : index
        %get3A_221 = tpu.vector_load %arg5[%get3A_219, %get3A_220] {strides = array<i32>} : memref<16x1000xf32, #tpu.memory_space<vmem>>, vector<16xf32>,
        %gt3A_222 = arith.cmpf ogt, %get3A_221, %max3A_215 : vector<16xf32>
        %max3A_223 = arith.maximumf %max3A_215, %get3A_221 : vector<16xf32>
        %jit3A_224 = arith.constant 18 : i32
        %broadcast_in_dim3A_225 = vector.broadcast %jit3A_224 : i32 to vector<16xi32>
        %select_n3A_226 = arith.select %gt3A_222, %broadcast_in_dim3A_225, %select_n3A_218 : vector<16xi1>, vector<16xi32>
        %get3A_227 = arith.index_cast %add3A_75 : i32 to index
        %get3A_228 = arith.constant 304 : index
        %get3A_229 = tpu.vector_load %arg5[%get3A_227, %get3A_228] {strides = array<i32>} : memref<16x1000xf32, #tpu.memory_space<vmem>>, vector<16xf32>,
        %gt3A_230 = arith.cmpf ogt, %get3A_229, %max3A_223 : vector<16xf32>
        %max3A_231 = arith.maximumf %max3A_223, %get3A_229 : vector<16xf32>
        %jit3A_232 = arith.constant 19 : i32
        %broadcast_in_dim3A_233 = vector.broadcast %jit3A_232 : i32 to vector<16xi32>
        %select_n3A_234 = arith.select %gt3A_230, %broadcast_in_dim3A_233, %select_n3A_226 : vector<16xi1>, vector<16xi32>
        %get3A_235 = arith.index_cast %add3A_75 : i32 to index
        %get3A_236 = arith.constant 320 : index
        %get3A_237 = tpu.vector_load %arg5[%get3A_235, %get3A_236] {strides = array<i32>} : memref<16x1000xf32, #tpu.memory_space<vmem>>, vector<16xf32>,
        %gt3A_238 = arith.cmpf ogt, %get3A_237, %max3A_231 : vector<16xf32>
        %max3A_239 = arith.maximumf %max3A_231, %get3A_237 : vector<16xf32>
        %jit3A_240 = arith.constant 20 : i32
        %broadcast_in_dim3A_241 = vector.broadcast %jit3A_240 : i32 to vector<16xi32>
        %select_n3A_242 = arith.select %gt3A_238, %broadcast_in_dim3A_241, %select_n3A_234 : vector<16xi1>, vector<16xi32>
        %get3A_243 = arith.index_cast %add3A_75 : i32 to index
        %get3A_244 = arith.constant 336 : index
        %get3A_245 = tpu.vector_load %arg5[%get3A_243, %get3A_244] {strides = array<i32>} : memref<16x1000xf32, #tpu.memory_space<vmem>>, vector<16xf32>,
        %gt3A_246 = arith.cmpf ogt, %get3A_245, %max3A_239 : vector<16xf32>
        %max3A_247 = arith.maximumf %max3A_239, %get3A_245 : vector<16xf32>
        %jit3A_248 = arith.constant 21 : i32
        %broadcast_in_dim3A_249 = vector.broadcast %jit3A_248 : i32 to vector<16xi32>
        %select_n3A_250 = arith.select %gt3A_246, %broadcast_in_dim3A_249, %select_n3A_242 : vector<16xi1>, vector<16xi32>
        %get3A_251 = arith.index_cast %add3A_75 : i32 to index
        %get3A_252 = arith.constant 352 : index
        %get3A_253 = tpu.vector_load %arg5[%get3A_251, %get3A_252] {strides = array<i32>} : memref<16x1000xf32, #tpu.memory_space<vmem>>, vector<16xf32>,
        %gt3A_254 = arith.cmpf ogt, %get3A_253, %max3A_247 : vector<16xf32>
        %max3A_255 = arith.maximumf %max3A_247, %get3A_253 : vector<16xf32>
        %jit3A_256 = arith.constant 22 : i32
        %broadcast_in_dim3A_257 = vector.broadcast %jit3A_256 : i32 to vector<16xi32>
        %select_n3A_258 = arith.select %gt3A_254, %broadcast_in_dim3A_257, %select_n3A_250 : vector<16xi1>, vector<16xi32>
        %get3A_259 = arith.index_cast %add3A_75 : i32 to index
        %get3A_260 = arith.constant 368 : index
        %get3A_261 = tpu.vector_load %arg5[%get3A_259, %get3A_260] {strides = array<i32>} : memref<16x1000xf32, #tpu.memory_space<vmem>>, vector<16xf32>,
        %gt3A_262 = arith.cmpf ogt, %get3A_261, %max3A_255 : vector<16xf32>
        %max3A_263 = arith.maximumf %max3A_255, %get3A_261 : vector<16xf32>
        %jit3A_264 = arith.constant 23 : i32
        %broadcast_in_dim3A_265 = vector.broadcast %jit3A_264 : i32 to vector<16xi32>
        %select_n3A_266 = arith.select %gt3A_262, %broadcast_in_dim3A_265, %select_n3A_258 : vector<16xi1>, vector<16xi32>
        %get3A_267 = arith.index_cast %add3A_75 : i32 to index
        %get3A_268 = arith.constant 384 : index
        %get3A_269 = tpu.vector_load %arg5[%get3A_267, %get3A_268] {strides = array<i32>} : memref<16x1000xf32, #tpu.memory_space<vmem>>, vector<16xf32>,
        %gt3A_270 = arith.cmpf ogt, %get3A_269, %max3A_263 : vector<16xf32>
        %max3A_271 = arith.maximumf %max3A_263, %get3A_269 : vector<16xf32>
        %jit3A_272 = arith.constant 24 : i32
        %broadcast_in_dim3A_273 = vector.broadcast %jit3A_272 : i32 to vector<16xi32>
        %select_n3A_274 = arith.select %gt3A_270, %broadcast_in_dim3A_273, %select_n3A_266 : vector<16xi1>, vector<16xi32>
        %get3A_275 = arith.index_cast %add3A_75 : i32 to index
        %get3A_276 = arith.constant 400 : index
        %get3A_277 = tpu.vector_load %arg5[%get3A_275, %get3A_276] {strides = array<i32>} : memref<16x1000xf32, #tpu.memory_space<vmem>>, vector<16xf32>,
        %gt3A_278 = arith.cmpf ogt, %get3A_277, %max3A_271 : vector<16xf32>
        %max3A_279 = arith.maximumf %max3A_271, %get3A_277 : vector<16xf32>
        %jit3A_280 = arith.constant 25 : i32
        %broadcast_in_dim3A_281 = vector.broadcast %jit3A_280 : i32 to vector<16xi32>
        %select_n3A_282 = arith.select %gt3A_278, %broadcast_in_dim3A_281, %select_n3A_274 : vector<16xi1>, vector<16xi32>
        %get3A_283 = arith.index_cast %add3A_75 : i32 to index
        %get3A_284 = arith.constant 416 : index
        %get3A_285 = tpu.vector_load %arg5[%get3A_283, %get3A_284] {strides = array<i32>} : memref<16x1000xf32, #tpu.memory_space<vmem>>, vector<16xf32>,
        %gt3A_286 = arith.cmpf ogt, %get3A_285, %max3A_279 : vector<16xf32>
        %max3A_287 = arith.maximumf %max3A_279, %get3A_285 : vector<16xf32>
        %jit3A_288 = arith.constant 26 : i32
        %broadcast_in_dim3A_289 = vector.broadcast %jit3A_288 : i32 to vector<16xi32>
        %select_n3A_290 = arith.select %gt3A_286, %broadcast_in_dim3A_289, %select_n3A_282 : vector<16xi1>, vector<16xi32>
        %get3A_291 = arith.index_cast %add3A_75 : i32 to index
        %get3A_292 = arith.constant 432 : index
        %get3A_293 = tpu.vector_load %arg5[%get3A_291, %get3A_292] {strides = array<i32>} : memref<16x1000xf32, #tpu.memory_space<vmem>>, vector<16xf32>,
        %gt3A_294 = arith.cmpf ogt, %get3A_293, %max3A_287 : vector<16xf32>
        %max3A_295 = arith.maximumf %max3A_287, %get3A_293 : vector<16xf32>
        %jit3A_296 = arith.constant 27 : i32
        %broadcast_in_dim3A_297 = vector.broadcast %jit3A_296 : i32 to vector<16xi32>
        %select_n3A_298 = arith.select %gt3A_294, %broadcast_in_dim3A_297, %select_n3A_290 : vector<16xi1>, vector<16xi32>
        %get3A_299 = arith.index_cast %add3A_75 : i32 to index
        %get3A_300 = arith.constant 448 : index
        %get3A_301 = tpu.vector_load %arg5[%get3A_299, %get3A_300] {strides = array<i32>} : memref<16x1000xf32, #tpu.memory_space<vmem>>, vector<16xf32>,
        %gt3A_302 = arith.cmpf ogt, %get3A_301, %max3A_295 : vector<16xf32>
        %max3A_303 = arith.maximumf %max3A_295, %get3A_301 : vector<16xf32>
        %jit3A_304 = arith.constant 28 : i32
        %broadcast_in_dim3A_305 = vector.broadcast %jit3A_304 : i32 to vector<16xi32>
        %select_n3A_306 = arith.select %gt3A_302, %broadcast_in_dim3A_305, %select_n3A_298 : vector<16xi1>, vector<16xi32>
        %get3A_307 = arith.index_cast %add3A_75 : i32 to index
        %get3A_308 = arith.constant 464 : index
        %get3A_309 = tpu.vector_load %arg5[%get3A_307, %get3A_308] {strides = array<i32>} : memref<16x1000xf32, #tpu.memory_space<vmem>>, vector<16xf32>,
        %gt3A_310 = arith.cmpf ogt, %get3A_309, %max3A_303 : vector<16xf32>
        %max3A_311 = arith.maximumf %max3A_303, %get3A_309 : vector<16xf32>
        %jit3A_312 = arith.constant 29 : i32
        %broadcast_in_dim3A_313 = vector.broadcast %jit3A_312 : i32 to vector<16xi32>
        %select_n3A_314 = arith.select %gt3A_310, %broadcast_in_dim3A_313, %select_n3A_306 : vector<16xi1>, vector<16xi32>
        %get3A_315 = arith.index_cast %add3A_75 : i32 to index
        %get3A_316 = arith.constant 480 : index
        %get3A_317 = tpu.vector_load %arg5[%get3A_315, %get3A_316] {strides = array<i32>} : memref<16x1000xf32, #tpu.memory_space<vmem>>, vector<16xf32>,
        %gt3A_318 = arith.cmpf ogt, %get3A_317, %max3A_311 : vector<16xf32>
        %max3A_319 = arith.maximumf %max3A_311, %get3A_317 : vector<16xf32>
        %jit3A_320 = arith.constant 30 : i32
        %broadcast_in_dim3A_321 = vector.broadcast %jit3A_320 : i32 to vector<16xi32>
        %select_n3A_322 = arith.select %gt3A_318, %broadcast_in_dim3A_321, %select_n3A_314 : vector<16xi1>, vector<16xi32>
        %get3A_323 = arith.index_cast %add3A_75 : i32 to index
        %get3A_324 = arith.constant 496 : index
        %get3A_325 = tpu.vector_load %arg5[%get3A_323, %get3A_324] {strides = array<i32>} : memref<16x1000xf32, #tpu.memory_space<vmem>>, vector<16xf32>,
        %gt3A_326 = arith.cmpf ogt, %get3A_325, %broadcast_in_dim3A_77 : vector<16xf32>
        %max3A_327 = arith.maximumf %broadcast_in_dim3A_77, %get3A_325 : vector<16xf32>
        %jit3A_328 = arith.constant 31 : i32
        %broadcast_in_dim3A_329 = vector.broadcast %jit3A_328 : i32 to vector<16xi32>
        %select_n3A_330 = arith.select %gt3A_326, %broadcast_in_dim3A_329, %broadcast_in_dim3A_79 : vector<16xi1>, vector<16xi32>
        %get3A_331 = arith.index_cast %add3A_75 : i32 to index
        %get3A_332 = arith.constant 512 : index
        %get3A_333 = tpu.vector_load %arg5[%get3A_331, %get3A_332] {strides = array<i32>} : memref<16x1000xf32, #tpu.memory_space<vmem>>, vector<16xf32>,
        %gt3A_334 = arith.cmpf ogt, %get3A_333, %max3A_327 : vector<16xf32>
        %max3A_335 = arith.maximumf %max3A_327, %get3A_333 : vector<16xf32>
        %jit3A_336 = arith.constant 32 : i32
        %broadcast_in_dim3A_337 = vector.broadcast %jit3A_336 : i32 to vector<16xi32>
        %select_n3A_338 = arith.select %gt3A_334, %broadcast_in_dim3A_337, %select_n3A_330 : vector<16xi1>, vector<16xi32>
        %get3A_339 = arith.index_cast %add3A_75 : i32 to index
        %get3A_340 = arith.constant 528 : index
        %get3A_341 = tpu.vector_load %arg5[%get3A_339, %get3A_340] {strides = array<i32>} : memref<16x1000xf32, #tpu.memory_space<vmem>>, vector<16xf32>,
        %gt3A_342 = arith.cmpf ogt, %get3A_341, %max3A_335 : vector<16xf32>
        %max3A_343 = arith.maximumf %max3A_335, %get3A_341 : vector<16xf32>
        %jit3A_344 = arith.constant 33 : i32
        %broadcast_in_dim3A_345 = vector.broadcast %jit3A_344 : i32 to vector<16xi32>
        %select_n3A_346 = arith.select %gt3A_342, %broadcast_in_dim3A_345, %select_n3A_338 : vector<16xi1>, vector<16xi32>
        %get3A_347 = arith.index_cast %add3A_75 : i32 to index
        %get3A_348 = arith.constant 544 : index
        %get3A_349 = tpu.vector_load %arg5[%get3A_347, %get3A_348] {strides = array<i32>} : memref<16x1000xf32, #tpu.memory_space<vmem>>, vector<16xf32>,
        %gt3A_350 = arith.cmpf ogt, %get3A_349, %max3A_343 : vector<16xf32>
        %max3A_351 = arith.maximumf %max3A_343, %get3A_349 : vector<16xf32>
        %jit3A_352 = arith.constant 34 : i32
        %broadcast_in_dim3A_353 = vector.broadcast %jit3A_352 : i32 to vector<16xi32>
        %select_n3A_354 = arith.select %gt3A_350, %broadcast_in_dim3A_353, %select_n3A_346 : vector<16xi1>, vector<16xi32>
        %get3A_355 = arith.index_cast %add3A_75 : i32 to index
        %get3A_356 = arith.constant 560 : index
        %get3A_357 = tpu.vector_load %arg5[%get3A_355, %get3A_356] {strides = array<i32>} : memref<16x1000xf32, #tpu.memory_space<vmem>>, vector<16xf32>,
        %gt3A_358 = arith.cmpf ogt, %get3A_357, %max3A_351 : vector<16xf32>
        %max3A_359 = arith.maximumf %max3A_351, %get3A_357 : vector<16xf32>
        %jit3A_360 = arith.constant 35 : i32
        %broadcast_in_dim3A_361 = vector.broadcast %jit3A_360 : i32 to vector<16xi32>
        %select_n3A_362 = arith.select %gt3A_358, %broadcast_in_dim3A_361, %select_n3A_354 : vector<16xi1>, vector<16xi32>
        %get3A_363 = arith.index_cast %add3A_75 : i32 to index
        %get3A_364 = arith.constant 576 : index
        %get3A_365 = tpu.vector_load %arg5[%get3A_363, %get3A_364] {strides = array<i32>} : memref<16x1000xf32, #tpu.memory_space<vmem>>, vector<16xf32>,
        %gt3A_366 = arith.cmpf ogt, %get3A_365, %max3A_359 : vector<16xf32>
        %max3A_367 = arith.maximumf %max3A_359, %get3A_365 : vector<16xf32>
        %jit3A_368 = arith.constant 36 : i32
        %broadcast_in_dim3A_369 = vector.broadcast %jit3A_368 : i32 to vector<16xi32>
        %select_n3A_370 = arith.select %gt3A_366, %broadcast_in_dim3A_369, %select_n3A_362 : vector<16xi1>, vector<16xi32>
        %get3A_371 = arith.index_cast %add3A_75 : i32 to index
        %get3A_372 = arith.constant 592 : index
        %get3A_373 = tpu.vector_load %arg5[%get3A_371, %get3A_372] {strides = array<i32>} : memref<16x1000xf32, #tpu.memory_space<vmem>>, vector<16xf32>,
        %gt3A_374 = arith.cmpf ogt, %get3A_373, %max3A_367 : vector<16xf32>
        %max3A_375 = arith.maximumf %max3A_367, %get3A_373 : vector<16xf32>
        %jit3A_376 = arith.constant 37 : i32
        %broadcast_in_dim3A_377 = vector.broadcast %jit3A_376 : i32 to vector<16xi32>
        %select_n3A_378 = arith.select %gt3A_374, %broadcast_in_dim3A_377, %select_n3A_370 : vector<16xi1>, vector<16xi32>
        %get3A_379 = arith.index_cast %add3A_75 : i32 to index
        %get3A_380 = arith.constant 608 : index
        %get3A_381 = tpu.vector_load %arg5[%get3A_379, %get3A_380] {strides = array<i32>} : memref<16x1000xf32, #tpu.memory_space<vmem>>, vector<16xf32>,
        %gt3A_382 = arith.cmpf ogt, %get3A_381, %max3A_375 : vector<16xf32>
        %max3A_383 = arith.maximumf %max3A_375, %get3A_381 : vector<16xf32>
        %jit3A_384 = arith.constant 38 : i32
        %broadcast_in_dim3A_385 = vector.broadcast %jit3A_384 : i32 to vector<16xi32>
        %select_n3A_386 = arith.select %gt3A_382, %broadcast_in_dim3A_385, %select_n3A_378 : vector<16xi1>, vector<16xi32>
        %get3A_387 = arith.index_cast %add3A_75 : i32 to index
        %get3A_388 = arith.constant 624 : index
        %get3A_389 = tpu.vector_load %arg5[%get3A_387, %get3A_388] {strides = array<i32>} : memref<16x1000xf32, #tpu.memory_space<vmem>>, vector<16xf32>,
        %gt3A_390 = arith.cmpf ogt, %get3A_389, %max3A_383 : vector<16xf32>
        %max3A_391 = arith.maximumf %max3A_383, %get3A_389 : vector<16xf32>
        %jit3A_392 = arith.constant 39 : i32
        %broadcast_in_dim3A_393 = vector.broadcast %jit3A_392 : i32 to vector<16xi32>
        %select_n3A_394 = arith.select %gt3A_390, %broadcast_in_dim3A_393, %select_n3A_386 : vector<16xi1>, vector<16xi32>
        %get3A_395 = arith.index_cast %add3A_75 : i32 to index
        %get3A_396 = arith.constant 640 : index
        %get3A_397 = tpu.vector_load %arg5[%get3A_395, %get3A_396] {strides = array<i32>} : memref<16x1000xf32, #tpu.memory_space<vmem>>, vector<16xf32>,
        %gt3A_398 = arith.cmpf ogt, %get3A_397, %max3A_391 : vector<16xf32>
        %max3A_399 = arith.maximumf %max3A_391, %get3A_397 : vector<16xf32>
        %jit3A_400 = arith.constant 40 : i32
        %broadcast_in_dim3A_401 = vector.broadcast %jit3A_400 : i32 to vector<16xi32>
        %select_n3A_402 = arith.select %gt3A_398, %broadcast_in_dim3A_401, %select_n3A_394 : vector<16xi1>, vector<16xi32>
        %get3A_403 = arith.index_cast %add3A_75 : i32 to index
        %get3A_404 = arith.constant 656 : index
        %get3A_405 = tpu.vector_load %arg5[%get3A_403, %get3A_404] {strides = array<i32>} : memref<16x1000xf32, #tpu.memory_space<vmem>>, vector<16xf32>,
        %gt3A_406 = arith.cmpf ogt, %get3A_405, %max3A_399 : vector<16xf32>
        %max3A_407 = arith.maximumf %max3A_399, %get3A_405 : vector<16xf32>
        %jit3A_408 = arith.constant 41 : i32
        %broadcast_in_dim3A_409 = vector.broadcast %jit3A_408 : i32 to vector<16xi32>
        %select_n3A_410 = arith.select %gt3A_406, %broadcast_in_dim3A_409, %select_n3A_402 : vector<16xi1>, vector<16xi32>
        %get3A_411 = arith.index_cast %add3A_75 : i32 to index
        %get3A_412 = arith.constant 672 : index
        %get3A_413 = tpu.vector_load %arg5[%get3A_411, %get3A_412] {strides = array<i32>} : memref<16x1000xf32, #tpu.memory_space<vmem>>, vector<16xf32>,
        %gt3A_414 = arith.cmpf ogt, %get3A_413, %max3A_407 : vector<16xf32>
        %max3A_415 = arith.maximumf %max3A_407, %get3A_413 : vector<16xf32>
        %jit3A_416 = arith.constant 42 : i32
        %broadcast_in_dim3A_417 = vector.broadcast %jit3A_416 : i32 to vector<16xi32>
        %select_n3A_418 = arith.select %gt3A_414, %broadcast_in_dim3A_417, %select_n3A_410 : vector<16xi1>, vector<16xi32>
        %get3A_419 = arith.index_cast %add3A_75 : i32 to index
        %get3A_420 = arith.constant 688 : index
        %get3A_421 = tpu.vector_load %arg5[%get3A_419, %get3A_420] {strides = array<i32>} : memref<16x1000xf32, #tpu.memory_space<vmem>>, vector<16xf32>,
        %gt3A_422 = arith.cmpf ogt, %get3A_421, %max3A_415 : vector<16xf32>
        %max3A_423 = arith.maximumf %max3A_415, %get3A_421 : vector<16xf32>
        %jit3A_424 = arith.constant 43 : i32
        %broadcast_in_dim3A_425 = vector.broadcast %jit3A_424 : i32 to vector<16xi32>
        %select_n3A_426 = arith.select %gt3A_422, %broadcast_in_dim3A_425, %select_n3A_418 : vector<16xi1>, vector<16xi32>
        %get3A_427 = arith.index_cast %add3A_75 : i32 to index
        %get3A_428 = arith.constant 704 : index
        %get3A_429 = tpu.vector_load %arg5[%get3A_427, %get3A_428] {strides = array<i32>} : memref<16x1000xf32, #tpu.memory_space<vmem>>, vector<16xf32>,
        %gt3A_430 = arith.cmpf ogt, %get3A_429, %max3A_423 : vector<16xf32>
        %max3A_431 = arith.maximumf %max3A_423, %get3A_429 : vector<16xf32>
        %jit3A_432 = arith.constant 44 : i32
        %broadcast_in_dim3A_433 = vector.broadcast %jit3A_432 : i32 to vector<16xi32>
        %select_n3A_434 = arith.select %gt3A_430, %broadcast_in_dim3A_433, %select_n3A_426 : vector<16xi1>, vector<16xi32>
        %get3A_435 = arith.index_cast %add3A_75 : i32 to index
        %get3A_436 = arith.constant 720 : index
        %get3A_437 = tpu.vector_load %arg5[%get3A_435, %get3A_436] {strides = array<i32>} : memref<16x1000xf32, #tpu.memory_space<vmem>>, vector<16xf32>,
        %gt3A_438 = arith.cmpf ogt, %get3A_437, %max3A_431 : vector<16xf32>
        %max3A_439 = arith.maximumf %max3A_431, %get3A_437 : vector<16xf32>
        %jit3A_440 = arith.constant 45 : i32
        %broadcast_in_dim3A_441 = vector.broadcast %jit3A_440 : i32 to vector<16xi32>
        %select_n3A_442 = arith.select %gt3A_438, %broadcast_in_dim3A_441, %select_n3A_434 : vector<16xi1>, vector<16xi32>
        %get3A_443 = arith.index_cast %add3A_75 : i32 to index
        %get3A_444 = arith.constant 736 : index
        %get3A_445 = tpu.vector_load %arg5[%get3A_443, %get3A_444] {strides = array<i32>} : memref<16x1000xf32, #tpu.memory_space<vmem>>, vector<16xf32>,
        %gt3A_446 = arith.cmpf ogt, %get3A_445, %max3A_439 : vector<16xf32>
        %max3A_447 = arith.maximumf %max3A_439, %get3A_445 : vector<16xf32>
        %jit3A_448 = arith.constant 46 : i32
        %broadcast_in_dim3A_449 = vector.broadcast %jit3A_448 : i32 to vector<16xi32>
        %select_n3A_450 = arith.select %gt3A_446, %broadcast_in_dim3A_449, %select_n3A_442 : vector<16xi1>, vector<16xi32>
        %get3A_451 = arith.index_cast %add3A_75 : i32 to index
        %get3A_452 = arith.constant 752 : index
        %get3A_453 = tpu.vector_load %arg5[%get3A_451, %get3A_452] {strides = array<i32>} : memref<16x1000xf32, #tpu.memory_space<vmem>>, vector<16xf32>,
        %gt3A_454 = arith.cmpf ogt, %get3A_453, %max3A_447 : vector<16xf32>
        %max3A_455 = arith.maximumf %max3A_447, %get3A_453 : vector<16xf32>
        %jit3A_456 = arith.constant 47 : i32
        %broadcast_in_dim3A_457 = vector.broadcast %jit3A_456 : i32 to vector<16xi32>
        %select_n3A_458 = arith.select %gt3A_454, %broadcast_in_dim3A_457, %select_n3A_450 : vector<16xi1>, vector<16xi32>
        %get3A_459 = arith.index_cast %add3A_75 : i32 to index
        %get3A_460 = arith.constant 768 : index
        %get3A_461 = tpu.vector_load %arg5[%get3A_459, %get3A_460] {strides = array<i32>} : memref<16x1000xf32, #tpu.memory_space<vmem>>, vector<16xf32>,
        %gt3A_462 = arith.cmpf ogt, %get3A_461, %max3A_455 : vector<16xf32>
        %max3A_463 = arith.maximumf %max3A_455, %get3A_461 : vector<16xf32>
        %jit3A_464 = arith.constant 48 : i32
        %broadcast_in_dim3A_465 = vector.broadcast %jit3A_464 : i32 to vector<16xi32>
        %select_n3A_466 = arith.select %gt3A_462, %broadcast_in_dim3A_465, %select_n3A_458 : vector<16xi1>, vector<16xi32>
        %get3A_467 = arith.index_cast %add3A_75 : i32 to index
        %get3A_468 = arith.constant 784 : index
        %get3A_469 = tpu.vector_load %arg5[%get3A_467, %get3A_468] {strides = array<i32>} : memref<16x1000xf32, #tpu.memory_space<vmem>>, vector<16xf32>,
        %gt3A_470 = arith.cmpf ogt, %get3A_469, %max3A_463 : vector<16xf32>
        %max3A_471 = arith.maximumf %max3A_463, %get3A_469 : vector<16xf32>
        %jit3A_472 = arith.constant 49 : i32
        %broadcast_in_dim3A_473 = vector.broadcast %jit3A_472 : i32 to vector<16xi32>
        %select_n3A_474 = arith.select %gt3A_470, %broadcast_in_dim3A_473, %select_n3A_466 : vector<16xi1>, vector<16xi32>
        %get3A_475 = arith.index_cast %add3A_75 : i32 to index
        %get3A_476 = arith.constant 800 : index
        %get3A_477 = tpu.vector_load %arg5[%get3A_475, %get3A_476] {strides = array<i32>} : memref<16x1000xf32, #tpu.memory_space<vmem>>, vector<16xf32>,
        %gt3A_478 = arith.cmpf ogt, %get3A_477, %max3A_471 : vector<16xf32>
        %max3A_479 = arith.maximumf %max3A_471, %get3A_477 : vector<16xf32>
        %jit3A_480 = arith.constant 50 : i32
        %broadcast_in_dim3A_481 = vector.broadcast %jit3A_480 : i32 to vector<16xi32>
        %select_n3A_482 = arith.select %gt3A_478, %broadcast_in_dim3A_481, %select_n3A_474 : vector<16xi1>, vector<16xi32>
        %get3A_483 = arith.index_cast %add3A_75 : i32 to index
        %get3A_484 = arith.constant 816 : index
        %get3A_485 = tpu.vector_load %arg5[%get3A_483, %get3A_484] {strides = array<i32>} : memref<16x1000xf32, #tpu.memory_space<vmem>>, vector<16xf32>,
        %gt3A_486 = arith.cmpf ogt, %get3A_485, %max3A_479 : vector<16xf32>
        %max3A_487 = arith.maximumf %max3A_479, %get3A_485 : vector<16xf32>
        %jit3A_488 = arith.constant 51 : i32
        %broadcast_in_dim3A_489 = vector.broadcast %jit3A_488 : i32 to vector<16xi32>
        %select_n3A_490 = arith.select %gt3A_486, %broadcast_in_dim3A_489, %select_n3A_482 : vector<16xi1>, vector<16xi32>
        %get3A_491 = arith.index_cast %add3A_75 : i32 to index
        %get3A_492 = arith.constant 832 : index
        %get3A_493 = tpu.vector_load %arg5[%get3A_491, %get3A_492] {strides = array<i32>} : memref<16x1000xf32, #tpu.memory_space<vmem>>, vector<16xf32>,
        %gt3A_494 = arith.cmpf ogt, %get3A_493, %max3A_487 : vector<16xf32>
        %max3A_495 = arith.maximumf %max3A_487, %get3A_493 : vector<16xf32>
        %jit3A_496 = arith.constant 52 : i32
        %broadcast_in_dim3A_497 = vector.broadcast %jit3A_496 : i32 to vector<16xi32>
        %select_n3A_498 = arith.select %gt3A_494, %broadcast_in_dim3A_497, %select_n3A_490 : vector<16xi1>, vector<16xi32>
        %get3A_499 = arith.index_cast %add3A_75 : i32 to index
        %get3A_500 = arith.constant 848 : index
        %get3A_501 = tpu.vector_load %arg5[%get3A_499, %get3A_500] {strides = array<i32>} : memref<16x1000xf32, #tpu.memory_space<vmem>>, vector<16xf32>,
        %gt3A_502 = arith.cmpf ogt, %get3A_501, %max3A_495 : vector<16xf32>
        %max3A_503 = arith.maximumf %max3A_495, %get3A_501 : vector<16xf32>
        %jit3A_504 = arith.constant 53 : i32
        %broadcast_in_dim3A_505 = vector.broadcast %jit3A_504 : i32 to vector<16xi32>
        %select_n3A_506 = arith.select %gt3A_502, %broadcast_in_dim3A_505, %select_n3A_498 : vector<16xi1>, vector<16xi32>
        %get3A_507 = arith.index_cast %add3A_75 : i32 to index
        %get3A_508 = arith.constant 864 : index
        %get3A_509 = tpu.vector_load %arg5[%get3A_507, %get3A_508] {strides = array<i32>} : memref<16x1000xf32, #tpu.memory_space<vmem>>, vector<16xf32>,
        %gt3A_510 = arith.cmpf ogt, %get3A_509, %max3A_503 : vector<16xf32>
        %max3A_511 = arith.maximumf %max3A_503, %get3A_509 : vector<16xf32>
        %jit3A_512 = arith.constant 54 : i32
        %broadcast_in_dim3A_513 = vector.broadcast %jit3A_512 : i32 to vector<16xi32>
        %select_n3A_514 = arith.select %gt3A_510, %broadcast_in_dim3A_513, %select_n3A_506 : vector<16xi1>, vector<16xi32>
        %get3A_515 = arith.index_cast %add3A_75 : i32 to index
        %get3A_516 = arith.constant 880 : index
        %get3A_517 = tpu.vector_load %arg5[%get3A_515, %get3A_516] {strides = array<i32>} : memref<16x1000xf32, #tpu.memory_space<vmem>>, vector<16xf32>,
        %gt3A_518 = arith.cmpf ogt, %get3A_517, %max3A_511 : vector<16xf32>
        %max3A_519 = arith.maximumf %max3A_511, %get3A_517 : vector<16xf32>
        %jit3A_520 = arith.constant 55 : i32
        %broadcast_in_dim3A_521 = vector.broadcast %jit3A_520 : i32 to vector<16xi32>
        %select_n3A_522 = arith.select %gt3A_518, %broadcast_in_dim3A_521, %select_n3A_514 : vector<16xi1>, vector<16xi32>
        %get3A_523 = arith.index_cast %add3A_75 : i32 to index
        %get3A_524 = arith.constant 896 : index
        %get3A_525 = tpu.vector_load %arg5[%get3A_523, %get3A_524] {strides = array<i32>} : memref<16x1000xf32, #tpu.memory_space<vmem>>, vector<16xf32>,
        %gt3A_526 = arith.cmpf ogt, %get3A_525, %max3A_519 : vector<16xf32>
        %max3A_527 = arith.maximumf %max3A_519, %get3A_525 : vector<16xf32>
        %jit3A_528 = arith.constant 56 : i32
        %broadcast_in_dim3A_529 = vector.broadcast %jit3A_528 : i32 to vector<16xi32>
        %select_n3A_530 = arith.select %gt3A_526, %broadcast_in_dim3A_529, %select_n3A_522 : vector<16xi1>, vector<16xi32>
        %get3A_531 = arith.index_cast %add3A_75 : i32 to index
        %get3A_532 = arith.constant 912 : index
        %get3A_533 = tpu.vector_load %arg5[%get3A_531, %get3A_532] {strides = array<i32>} : memref<16x1000xf32, #tpu.memory_space<vmem>>, vector<16xf32>,
        %gt3A_534 = arith.cmpf ogt, %get3A_533, %max3A_527 : vector<16xf32>
        %max3A_535 = arith.maximumf %max3A_527, %get3A_533 : vector<16xf32>
        %jit3A_536 = arith.constant 57 : i32
        %broadcast_in_dim3A_537 = vector.broadcast %jit3A_536 : i32 to vector<16xi32>
        %select_n3A_538 = arith.select %gt3A_534, %broadcast_in_dim3A_537, %select_n3A_530 : vector<16xi1>, vector<16xi32>
        %get3A_539 = arith.index_cast %add3A_75 : i32 to index
        %get3A_540 = arith.constant 928 : index
        %get3A_541 = tpu.vector_load %arg5[%get3A_539, %get3A_540] {strides = array<i32>} : memref<16x1000xf32, #tpu.memory_space<vmem>>, vector<16xf32>,
        %gt3A_542 = arith.cmpf ogt, %get3A_541, %max3A_535 : vector<16xf32>
        %max3A_543 = arith.maximumf %max3A_535, %get3A_541 : vector<16xf32>
        %jit3A_544 = arith.constant 58 : i32
        %broadcast_in_dim3A_545 = vector.broadcast %jit3A_544 : i32 to vector<16xi32>
        %select_n3A_546 = arith.select %gt3A_542, %broadcast_in_dim3A_545, %select_n3A_538 : vector<16xi1>, vector<16xi32>
        %get3A_547 = arith.index_cast %add3A_75 : i32 to index
        %get3A_548 = arith.constant 944 : index
        %get3A_549 = tpu.vector_load %arg5[%get3A_547, %get3A_548] {strides = array<i32>} : memref<16x1000xf32, #tpu.memory_space<vmem>>, vector<16xf32>,
        %gt3A_550 = arith.cmpf ogt, %get3A_549, %max3A_543 : vector<16xf32>
        %max3A_551 = arith.maximumf %max3A_543, %get3A_549 : vector<16xf32>
        %jit3A_552 = arith.constant 59 : i32
        %broadcast_in_dim3A_553 = vector.broadcast %jit3A_552 : i32 to vector<16xi32>
        %select_n3A_554 = arith.select %gt3A_550, %broadcast_in_dim3A_553, %select_n3A_546 : vector<16xi1>, vector<16xi32>
        %get3A_555 = arith.index_cast %add3A_75 : i32 to index
        %get3A_556 = arith.constant 960 : index
        %get3A_557 = tpu.vector_load %arg5[%get3A_555, %get3A_556] {strides = array<i32>} : memref<16x1000xf32, #tpu.memory_space<vmem>>, vector<16xf32>,
        %gt3A_558 = arith.cmpf ogt, %get3A_557, %max3A_551 : vector<16xf32>
        %max3A_559 = arith.maximumf %max3A_551, %get3A_557 : vector<16xf32>
        %jit3A_560 = arith.constant 60 : i32
        %broadcast_in_dim3A_561 = vector.broadcast %jit3A_560 : i32 to vector<16xi32>
        %select_n3A_562 = arith.select %gt3A_558, %broadcast_in_dim3A_561, %select_n3A_554 : vector<16xi1>, vector<16xi32>
        %get3A_563 = arith.index_cast %add3A_75 : i32 to index
        %get3A_564 = arith.constant 976 : index
        %get3A_565 = tpu.vector_load %arg5[%get3A_563, %get3A_564] {strides = array<i32>} : memref<16x1000xf32, #tpu.memory_space<vmem>>, vector<16xf32>,
        %gt3A_566 = arith.cmpf ogt, %get3A_565, %max3A_559 : vector<16xf32>
        %max3A_567 = arith.maximumf %max3A_559, %get3A_565 : vector<16xf32>
        %jit3A_568 = arith.constant 61 : i32
        %broadcast_in_dim3A_569 = vector.broadcast %jit3A_568 : i32 to vector<16xi32>
        %select_n3A_570 = arith.select %gt3A_566, %broadcast_in_dim3A_569, %select_n3A_562 : vector<16xi1>, vector<16xi32>
        %gt3A_571 = arith.cmpf ogt, %max3A_567, %max3A_319 : vector<16xf32>
        %max3A_572 = arith.maximumf %max3A_319, %max3A_567 : vector<16xf32>
        %select_n3A_573 = arith.select %gt3A_571, %select_n3A_570, %select_n3A_322 : vector<16xi1>, vector<16xi32>
        %get3A_574 = arith.index_cast %add3A_75 : i32 to index
        %get3A_575 = arith.constant 984 : index
        %get3A_576 = tpu.vector_load %arg5[%get3A_574, %get3A_575] {strides = array<i32>} : memref<16x1000xf32, #tpu.memory_space<vmem>>, vector<16xf32>,
        %ge3A = arith.constant 8 : i32
        %ge3A_577 = vector.broadcast %ge3A : i32 to vector<16xi32>
        %ge3A_578 = arith.cmpi sge, %iota3A, %ge3A_577 : vector<16xi32>
        %jit3A_579 = arith.constant 0xFF800000 : f32
        %broadcast_in_dim3A_580 = vector.broadcast %jit3A_579 : f32 to vector<16xf32>
        %select_n3A_581 = arith.select %ge3A_578, %get3A_576, %broadcast_in_dim3A_580 : vector<16xi1>, vector<16xf32>
        %gt3A_582 = arith.cmpf ogt, %select_n3A_581, %max3A_572 : vector<16xf32>
        %max3A_583 = arith.maximumf %max3A_572, %select_n3A_581 : vector<16xf32>
        %jit3A_584 = arith.constant 62 : i32
        %broadcast_in_dim3A_585 = vector.broadcast %jit3A_584 : i32 to vector<16xi32>
        %select_n3A_586 = arith.select %gt3A_582, %broadcast_in_dim3A_585, %select_n3A_573 : vector<16xi1>, vector<16xi32>
        %mul3A_587 = arith.constant 16 : i32
        %mul3A_588 = vector.broadcast %mul3A_587 : i32 to vector<16xi32>
        %mul3A_589 = arith.muli %select_n3A_586, %mul3A_588 : vector<16xi32>
        %add3A_590 = arith.addi %mul3A_589, %iota3A : vector<16xi32>
        %eq3A = arith.constant 62 : i32
        %eq3A_591 = vector.broadcast %eq3A : i32 to vector<16xi32>
        %eq3A_592 = arith.cmpi eq, %select_n3A_586, %eq3A_591 : vector<16xi32>
        %sub3A = arith.constant 8 : i32
        %sub3A_593 = vector.broadcast %sub3A : i32 to vector<16xi32>
        %sub3A_594 = arith.subi %add3A_590, %sub3A_593 : vector<16xi32>
        %select_n3A_595 = arith.select %eq3A_592, %sub3A_594, %add3A_590 : vector<16xi1>, vector<16xi32>
        %xor3A = arith.constant 1 : i32
        %xor3A_596 = vector.broadcast %xor3A : i32 to vector<16xi32>
        %xor3A_597 = arith.xori %iota3A, %xor3A_596 : vector<16xi32>
        %broadcast_in_dim3A_598 = vector.shape_cast %xor3A_597 : vector<16xi32> to vector<16x1xi32>
        %gather3A = vector.shape_cast %broadcast_in_dim3A_598 : vector<16x1xi32> to vector<16xi32>
        %gather3A_599 = tpu.dynamic_gather %max3A_583[%gather3A] in [0] : vector<16xf32>, vector<16xi32> -> vector<16xf32>
        %max3A_600 = arith.maximumf %max3A_583, %gather3A_599 : vector<16xf32>
        %xor3A_601 = arith.constant 2 : i32
        %xor3A_602 = vector.broadcast %xor3A_601 : i32 to vector<16xi32>
        %xor3A_603 = arith.xori %iota3A, %xor3A_602 : vector<16xi32>
        %broadcast_in_dim3A_604 = vector.shape_cast %xor3A_603 : vector<16xi32> to vector<16x1xi32>
        %gather3A_605 = vector.shape_cast %broadcast_in_dim3A_604 : vector<16x1xi32> to vector<16xi32>
        %gather3A_606 = tpu.dynamic_gather %max3A_600[%gather3A_605] in [0] : vector<16xf32>, vector<16xi32> -> vector<16xf32>
        %max3A_607 = arith.maximumf %max3A_600, %gather3A_606 : vector<16xf32>
        %xor3A_608 = arith.constant 4 : i32
        %xor3A_609 = vector.broadcast %xor3A_608 : i32 to vector<16xi32>
        %xor3A_610 = arith.xori %iota3A, %xor3A_609 : vector<16xi32>
        %broadcast_in_dim3A_611 = vector.shape_cast %xor3A_610 : vector<16xi32> to vector<16x1xi32>
        %gather3A_612 = vector.shape_cast %broadcast_in_dim3A_611 : vector<16x1xi32> to vector<16xi32>
        %gather3A_613 = tpu.dynamic_gather %max3A_607[%gather3A_612] in [0] : vector<16xf32>, vector<16xi32> -> vector<16xf32>
        %max3A_614 = arith.maximumf %max3A_607, %gather3A_613 : vector<16xf32>
        %xor3A_615 = arith.constant 8 : i32
        %xor3A_616 = vector.broadcast %xor3A_615 : i32 to vector<16xi32>
        %xor3A_617 = arith.xori %iota3A, %xor3A_616 : vector<16xi32>
        %broadcast_in_dim3A_618 = vector.shape_cast %xor3A_617 : vector<16xi32> to vector<16x1xi32>
        %gather3A_619 = vector.shape_cast %broadcast_in_dim3A_618 : vector<16x1xi32> to vector<16xi32>
        %gather3A_620 = tpu.dynamic_gather %max3A_614[%gather3A_619] in [0] : vector<16xf32>, vector<16xi32> -> vector<16xf32>
        %max3A_621 = arith.maximumf %max3A_614, %gather3A_620 : vector<16xf32>
        %eq3A_622 = arith.cmpf oeq, %max3A_583, %max3A_621 : vector<16xf32>
        %jit3A_623 = arith.constant 1000 : i32
        %broadcast_in_dim3A_624 = vector.broadcast %jit3A_623 : i32 to vector<16xi32>
        %select_n3A_625 = arith.select %eq3A_622, %select_n3A_595, %broadcast_in_dim3A_624 : vector<16xi1>, vector<16xi32>
        %xor3A_626 = arith.constant 1 : i32
        %xor3A_627 = vector.broadcast %xor3A_626 : i32 to vector<16xi32>
        %xor3A_628 = arith.xori %iota3A, %xor3A_627 : vector<16xi32>
        %broadcast_in_dim3A_629 = vector.shape_cast %xor3A_628 : vector<16xi32> to vector<16x1xi32>
        %gather3A_630 = vector.shape_cast %broadcast_in_dim3A_629 : vector<16x1xi32> to vector<16xi32>
        %gather3A_631 = tpu.dynamic_gather %select_n3A_625[%gather3A_630] in [0] : vector<16xi32>, vector<16xi32> -> vector<16xi32>
        %min3A = arith.minsi %select_n3A_625, %gather3A_631 : vector<16xi32>
        %xor3A_632 = arith.constant 2 : i32
        %xor3A_633 = vector.broadcast %xor3A_632 : i32 to vector<16xi32>
        %xor3A_634 = arith.xori %iota3A, %xor3A_633 : vector<16xi32>
        %broadcast_in_dim3A_635 = vector.shape_cast %xor3A_634 : vector<16xi32> to vector<16x1xi32>
        %gather3A_636 = vector.shape_cast %broadcast_in_dim3A_635 : vector<16x1xi32> to vector<16xi32>
        %gather3A_637 = tpu.dynamic_gather %min3A[%gather3A_636] in [0] : vector<16xi32>, vector<16xi32> -> vector<16xi32>
        %min3A_638 = arith.minsi %min3A, %gather3A_637 : vector<16xi32>
        %xor3A_639 = arith.constant 4 : i32
        %xor3A_640 = vector.broadcast %xor3A_639 : i32 to vector<16xi32>
        %xor3A_641 = arith.xori %iota3A, %xor3A_640 : vector<16xi32>
        %broadcast_in_dim3A_642 = vector.shape_cast %xor3A_641 : vector<16xi32> to vector<16x1xi32>
        %gather3A_643 = vector.shape_cast %broadcast_in_dim3A_642 : vector<16x1xi32> to vector<16xi32>
        %gather3A_644 = tpu.dynamic_gather %min3A_638[%gather3A_643] in [0] : vector<16xi32>, vector<16xi32> -> vector<16xi32>
        %min3A_645 = arith.minsi %min3A_638, %gather3A_644 : vector<16xi32>
        %xor3A_646 = arith.constant 8 : i32
        %xor3A_647 = vector.broadcast %xor3A_646 : i32 to vector<16xi32>
        %xor3A_648 = arith.xori %iota3A, %xor3A_647 : vector<16xi32>
        %broadcast_in_dim3A_649 = vector.shape_cast %xor3A_648 : vector<16xi32> to vector<16x1xi32>
        %gather3A_650 = vector.shape_cast %broadcast_in_dim3A_649 : vector<16x1xi32> to vector<16xi32>
        %gather3A_651 = tpu.dynamic_gather %min3A_645[%gather3A_650] in [0] : vector<16xi32>, vector<16xi32> -> vector<16xi32>
        %min3A_652 = arith.minsi %min3A_645, %gather3A_651 : vector<16xi32>
        %eq3A_653 = vector.broadcast %scan3A_72 : i32 to vector<16xi32>
        %eq3A_654 = arith.cmpi eq, %iota3A, %eq3A_653 : vector<16xi32>
        %select_n3A_655 = arith.select %eq3A_654, %min3A_652, %scan3A_73 : vector<16xi1>, vector<16xi32>
        scf.yield %select_n3A_655 : vector<16xi32>
      }
      %scan3A_65 = arith.constant 16 : i32
      %mul3A_66 = arith.constant 16 : i32
      %mul3A_67 = arith.muli %add3A_57, %mul3A_66 : i32
      %add3A_68 = arith.constant 0 : i32
      %add3A_69 = arith.addi %mul3A_67, %add3A_68 : i32
      %swap3A_70 = arith.index_cast %add3A_69 : i32 to index
      %swap3A_71 = tpu.vector_load %arg6[%swap3A_70] {strides = array<i32>} : memref<512xi32, #tpu.memory_space<vmem>>, vector<16xi32>,
      tpu.vector_store %arg6[%swap3A_70], %scan3A_64 {strides = array<i32>} : memref<512xi32, #tpu.memory_space<vmem>>, vector<16xi32>,
    }
    %scan3A_12 = arith.constant 16 : i32
    "tpu.region"() ({
      %run_scoped3A = tpu.sem_alloc : memref<!tpu.dma_semaphore, #tpu.memory_space<semaphore_mem>>
      %dma_start3A_13 = tpu.memref_slice %arg3[%mul3A_2] : memref<16384xi32, #tpu.memory_space<hbm>> -> memref<512xi32, #tpu.memory_space<hbm>>
      %dma_start3A_14 = tpu.memref_slice %arg3[%mul3A_2] : memref<16384xi32, #tpu.memory_space<hbm>> -> memref<512xi32, #tpu.memory_space<hbm>>
      tpu.enqueue_dma source(%arg6 : memref<512xi32, #tpu.memory_space<vmem>>) target(%dma_start3A_14 : memref<512xi32, #tpu.memory_space<hbm>>) target_semaphore(%run_scoped3A : memref<!tpu.dma_semaphore, #tpu.memory_space<semaphore_mem>>)
      %dma_wait3A = tpu.memref_slice %arg3[%mul3A_2] : memref<16384xi32, #tpu.memory_space<hbm>> -> memref<512xi32, #tpu.memory_space<hbm>>
      %dma_wait3A_15 = tpu.memref_slice %arg3[%mul3A_2] : memref<16384xi32, #tpu.memory_space<hbm>> -> memref<512xi32, #tpu.memory_space<hbm>>
      tpu.wait_dma2 semaphore(%run_scoped3A : memref<!tpu.dma_semaphore, #tpu.memory_space<semaphore_mem>>) src(%arg6 : memref<512xi32, #tpu.memory_space<vmem>>) dst(%dma_wait3A_15 : memref<512xi32, #tpu.memory_space<hbm>>)
      tpu.yield
    }) : () -> ()
    return
  }
}

module attributes {stable_mosaic.version = 14 : i64} {
  func.func @body(%arg0: i32, %arg1: memref<1024x1000xf32, #tpu.memory_space<vmem>>, %arg2: memref<1024x1xi32, #tpu.memory_space<vmem>>, %arg3: memref<1x1xf32, #tpu.memory_space<smem>>) attributes {dimension_semantics = [#tpu.dimension_semantics<arbitrary>], iteration_bounds = array<i64: 16>, scalar_prefetch = 0 : i64, scratch_operands = 0 : i64, tpu.core_type = #tpu.core_type<tc>, window_params = [{transform_indices = @transform_0, window_bounds = array<i64: 1024, 1000>}, {transform_indices = @transform_1, window_bounds = array<i64: 1024, 1>}, {transform_indices = @transform_2, window_bounds = array<i64: 1, 1>}]} {
    %eq3A = arith.constant 0 : i32
    %eq3A_0 = arith.cmpi eq, %arg0, %eq3A : i32
    %convert_element_type3A = arith.extui %eq3A_0 : i1 to i32
    %cond3A = arith.constant 0 : i32
    %cond3A_1 = arith.cmpi ne, %convert_element_type3A, %cond3A : i32
    scf.if %cond3A_1 {
      %swap3A_31 = arith.constant 0.000000e+00 : f32
      %swap3A_32 = arith.constant 0 : index
      %swap3A_33 = arith.constant 0 : index
      %swap3A_34 = memref.load %arg3[%swap3A_32, %swap3A_33] : memref<1x1xf32, #tpu.memory_space<smem>>
      memref.store %swap3A_31, %arg3[%swap3A_32, %swap3A_33] : memref<1x1xf32, #tpu.memory_space<smem>>
    } else {
    }
    %get3A = arith.constant 0 : index
    %get3A_2 = arith.constant 0 : index
    %get3A_3 = vector.load %arg1[%get3A, %get3A_2] : memref<1024x1000xf32, #tpu.memory_space<vmem>>, vector<1024x1000xf32>
    %get3A_4 = arith.constant 0 : index
    %get3A_5 = arith.constant 0 : index
    %get3A_6 = vector.load %arg2[%get3A_4, %get3A_5] : memref<1024x1xi32, #tpu.memory_space<vmem>>, vector<1024x1xi32>
    %reduce_max3A = arith.constant dense<0xFF800000> : vector<1024xf32>
    %reduce_max3A_7 = vector.multi_reduction <maximumf>, %get3A_3, %reduce_max3A [1] : vector<1024x1000xf32> to vector<1024xf32>
    %broadcast_in_dim3A = vector.shape_cast %reduce_max3A_7 : vector<1024xf32> to vector<1024x1xf32>
    %squeeze3A = vector.shape_cast %broadcast_in_dim3A : vector<1024x1xf32> to vector<1024xf32>
    %sub3A = vector.broadcast %broadcast_in_dim3A : vector<1024x1xf32> to vector<1024x1000xf32>
    %sub3A_8 = arith.subf %get3A_3, %sub3A : vector<1024x1000xf32>
    %exp3A = math.exp %sub3A_8 : vector<1024x1000xf32>
    %reduce_sum3A = arith.constant dense<0.000000e+00> : vector<1024xf32>
    %reduce_sum3A_9 = vector.multi_reduction <add>, %exp3A, %reduce_sum3A [1] : vector<1024x1000xf32> to vector<1024xf32>
    %log3A = math.log %reduce_sum3A_9 : vector<1024xf32>
    %add3A = arith.addf %squeeze3A, %log3A : vector<1024xf32>
    %iota3A = tpu.iota {dimensions = array<i32: 1>} : vector<1024x1000xi32>
    %eq3A_10 = vector.broadcast %get3A_6 : vector<1024x1xi32> to vector<1024x1000xi32>
    %eq3A_11 = arith.cmpi eq, %iota3A, %eq3A_10 : vector<1024x1000xi32>
    %jit3A = arith.constant 0.000000e+00 : f32
    %broadcast_in_dim3A_12 = vector.broadcast %jit3A : f32 to vector<1024x1000xf32>
    %select_n3A = arith.select %eq3A_11, %get3A_3, %broadcast_in_dim3A_12 : vector<1024x1000xi1>, vector<1024x1000xf32>
    %reduce_sum3A_13 = vector.shape_cast %select_n3A : vector<1024x1000xf32> to vector<1x1024x1000xf32>
    %reduce_sum3A_14 = arith.constant dense<0.000000e+00> : vector<1xf32>
    %reduce_sum3A_15 = vector.multi_reduction <add>, %reduce_sum3A_13, %reduce_sum3A_14 [1, 2] : vector<1x1024x1000xf32> to vector<1xf32>
    %reduce_sum3A_16 = vector.shape_cast %reduce_sum3A_15 : vector<1xf32> to vector<1x1x1xf32>
    %reduce_sum3A_17 = vector.extract %reduce_sum3A_16[0, 0, 0] : f32 from vector<1x1x1xf32>
    %get3A_18 = arith.constant 0 : index
    %get3A_19 = arith.constant 0 : index
    %get3A_20 = memref.load %arg3[%get3A_18, %get3A_19] : memref<1x1xf32, #tpu.memory_space<smem>>
    %reduce_sum3A_21 = vector.shape_cast %add3A : vector<1024xf32> to vector<1x1024xf32>
    %reduce_sum3A_22 = arith.constant dense<0.000000e+00> : vector<1xf32>
    %reduce_sum3A_23 = vector.multi_reduction <add>, %reduce_sum3A_21, %reduce_sum3A_22 [1] : vector<1x1024xf32> to vector<1xf32>
    %reduce_sum3A_24 = vector.shape_cast %reduce_sum3A_23 : vector<1xf32> to vector<1x1xf32>
    %reduce_sum3A_25 = vector.extract %reduce_sum3A_24[0, 0] : f32 from vector<1x1xf32>
    %sub3A_26 = arith.subf %reduce_sum3A_25, %reduce_sum3A_17 : f32
    %mul3A = arith.constant 6.10351563E-5 : f32
    %mul3A_27 = arith.mulf %sub3A_26, %mul3A : f32
    %add3A_28 = arith.addf %get3A_20, %mul3A_27 : f32
    %swap3A = arith.constant 0 : index
    %swap3A_29 = arith.constant 0 : index
    %swap3A_30 = memref.load %arg3[%swap3A, %swap3A_29] : memref<1x1xf32, #tpu.memory_space<smem>>
    memref.store %add3A_28, %arg3[%swap3A, %swap3A_29] : memref<1x1xf32, #tpu.memory_space<smem>>
    return
  }
  func.func @transform_0(%arg0: i32) -> (i32, i32) {
    %c0_i32 = arith.constant 0 : i32
    %c0_i32_0 = arith.constant 0 : i32
    return %arg0, %c0_i32 : i32, i32
  }
  func.func @transform_1(%arg0: i32) -> (i32, i32) {
    %c0_i32 = arith.constant 0 : i32
    %c0_i32_0 = arith.constant 0 : i32
    return %arg0, %c0_i32 : i32, i32
  }
  func.func @transform_2(%arg0: i32) -> (i32, i32) {
    %c0_i32 = arith.constant 0 : i32
    %c0_i32_0 = arith.constant 0 : i32
    %c0_i32_1 = arith.constant 0 : i32
    return %c0_i32, %c0_i32_0 : i32, i32
  }
}

</mosaic_0001>

<sc_bundles>
// kernel: _impl.4.cloned.1.call-start
scs
__scs_entry_jumppad:
0x0: {  	(pc) =	sbr.rel $0x88, $3  }
0x1: {  	(tag) =	ssettag $0x0;
	lr =	simm.s32 $0x1  }
0x2: {  	[smem:$0x3F9F] =	sst lr;
	_ =	strace $0xD0000000  }
0x3: {  	_ = 	snop  }
0x4: {  	_ = 	snop  }
0x5: {  	_ = 	snop  }
0x6: {  	_ = 	snop  }
0x7: {  	_ = 	snop  }
__scs_overlays_trampoline_lowered:
0x8: {  	[smem:$0x3FAE] =	sst s0  }
0x9: {  	[smem:$0x3FAF] =	sst s1  }
0xa: {  	[smem:$0x3FB0] =	sst s2  }
0xb: {  	[smem:$0x3FB1] =	sst s3  }
0xc: {  	[smem:$0x3FB2] =	sst s4  }
0xd: {  	[smem:$0x3FB3] =	sst s5  }
0xe: {  	[smem:$0x3FB4] =	sst s6  }
0xf: {  	[smem:$0x3FB5] =	sst s7  }
0x10: {  	[smem:$0x3FB6] =	sst s8  }
0x11: {  	[smem:$0x3FB7] =	sst s9;
	s0 =	simm.s32 @!p0 $0x0  }
0x12: {  	s1 =	sld [smem:$0x3F9D];
	s0 =	simm.s32 @p0 $0x1  }
0x13: {  	[smem:$0x3FB8] =	sst s0;
	s0 =	simm.s32 @!p1 $0x0  }
0x14: {  	s2 =	sld [smem:$0x3F9C];
	s0 =	simm.s32 @p1 $0x1  }
0x15: {  	[smem:$0x3FB9] =	sst s0;
	s0 =	simm.s32 @!p2 $0x0  }
0x16: {  	s3 =	sld [smem:$0x3FDB];
	s0 =	simm.s32 @p2 $0x1  }
0x17: {  	s4 =	simm.s32 $0x1BF5;
	[smem:$0x3FBB] =	sst s0  }
0x18: {  	s0 =	sld [smem:$0x3F9E];
	_ =	swait.ge [sflag:s4], $0x0  }
0x19: {  	s7 =	sld [smem:$0x3F9F]  }
0x1a: {  	s8 =	sadd.s32 $0xFFFFE003, lr  }
0x1b: {  	s9 =	sadd.s32 $0xFFFFFEF7, lr;
	s5 =	simm.s32 $0xFFFFFFFF;
	p2 =	slt.u32 s8, $0xFFFFF086  }
0x1c: {  	p1 =	slt.u32 s9, $0xF7A;
	s5 =	simm.s32 @!p2 $0x0  }
0x1d: {  	s5 =	simm.s32 @p1 $0x1;
	p0 =	seq.s32 s7, s2  }
0x1e: {  	s7 =	smul.u32 @!p0 $0xF7A, s2;
	p2 =	seq.s32 @!p0 s5, $0x0  }
0x1f: {  	s9 =	smul.u32 $0xF7A, s1;
	s8 =	simm.s32 @!p0 $0x1BF5;
	p2 =	por !p2, p0  }
0x20: {  	[sflag:s8] =	ssyncset.s32 @!p0 $0xFFFFF086;
	s6 =	sadd.s32 @!p0 s3, s7;
	s7 =	simm.s32 @!p0 $0x108  }
0x21: {  	s3 =	sadd.s32 s3, s9;
	s6 =	sadd.s32 @!p0 $0x88, s6;
	s7 =	simm.s32 @p2 $0x1082  }
0x22: {  	[simem:s7], [sflag:s8] =	dma.local @!p0 [hbm:s6], $0xF7A  }
0x23: {  	s9 =	sor.u32 $0xD0000000, s2;
	s6 =	simm.s32 $0x108;
	_ =	swait.ge @!p0 [sflag:s8], $0x0  }
0x24: {  	s3 =	sadd.s32 $0x88, s3;
	s6 =	simm.s32 @!p1 $0x1082;
	[sflag:s4] =	ssyncset.s32 $0xFFFFF086  }
0x25: {  	[simem:s6], [sflag:s4] =	dma.local [hbm:s3], $0xF7A  }
0x26: {  	[smem:$0x3F9F] =	sst s1;
	(tag) =	ssettag s2;
	_ =	strace s9  }
0x27: {  	s1 =	sld [smem:$0x3FAF]  }
0x28: {  	s2 =	sld [smem:$0x3FB0]  }
0x29: {  	s4 =	sld [smem:$0x3FB2]  }
0x2a: {  	p0 =	seq.s32 s5, $0x0;
	s5 =	sld [smem:$0x3FB3]  }
0x2b: {  	s6 =	sld [smem:$0x3FB4]  }
0x2c: {  	s7 =	sld [smem:$0x3FB5]  }
0x2d: {  	s3 =	simm.s32 $0x108;
	s8 =	sld [smem:$0x3FB6]  }
0x2e: {  	s3 =	simm.s32 @!p0 $0x1082;
	s9 =	sld [smem:$0x3FB7]  }
0x2f: {  	lr =	sadd.s32 s0, s3;
	s0 =	sld [smem:$0x3FAE]  }
0x30: {  	s3 =	sld [smem:$0x3FB1]  }
0x31: {  	[smem:$0x3FBA] =	sst s10  }
0x32: {  	s10 =	sld [smem:$0x3FB8];
	_ =	sdelay $0x3  }
0x33: {  	p0 =	seq.s32 s10, $0x1;
	s10 =	sld [smem:$0x3FBA];
	_ =	sdelay $0x3  }
0x34: {  	[smem:$0x3FBA] =	sst s10  }
0x35: {  	s10 =	sld [smem:$0x3FB9];
	_ =	sdelay $0x3  }
0x36: {  	p1 =	seq.s32 s10, $0x1;
	s10 =	sld [smem:$0x3FBA];
	_ =	sdelay $0x3  }
0x37: {  	[smem:$0x3FBA] =	sst s10  }
0x38: {  	s10 =	sld [smem:$0x3FBB]  }
0x39: {  	_ = 	snop;
	(pc) =	sbr.ind lr, $3  }
0x3a: {  	_ = 	snop  }
0x3b: {  	_ = 	snop  }
0x3c: {  	p2 =	seq.s32 s10, $0x1;
	s10 =	sld [smem:$0x3FBA]  }
0x3d: {  	_ =	shalt  }
0x3e: {  	_ =	shalt  }
0x3f: {  	_ =	shalt  }
0x40: {  	_ =	shalt  }
0x41: {  	_ =	shalt  }
0x42: {  	_ =	shalt  }
0x43: {  	_ =	shalt  }
0x44: {  	_ =	shalt  }
0x45: {  	_ =	shalt  }
0x46: {  	_ =	shalt  }
0x47: {  	_ =	shalt  }
0x48: {  	_ =	shalt  }
0x49: {  	_ =	shalt  }
0x4a: {  	_ =	shalt  }
0x4b: {  	_ =	shalt  }
0x4c: {  	_ =	shalt  }
0x4d: {  	_ =	shalt  }
0x4e: {  	_ =	shalt  }
0x4f: {  	_ =	shalt  }
0x50: {  	_ =	shalt  }
0x51: {  	_ =	shalt  }
0x52: {  	_ =	shalt  }
0x53: {  	_ =	shalt  }
0x54: {  	_ =	shalt  }
0x55: {  	_ =	shalt  }
0x56: {  	_ =	shalt  }
0x57: {  	_ =	shalt  }
0x58: {  	_ =	shalt  }
0x59: {  	_ =	shalt  }
0x5a: {  	_ =	shalt  }
0x5b: {  	_ =	shalt  }
0x5c: {  	_ =	shalt  }
0x5d: {  	_ =	shalt  }
0x5e: {  	_ =	shalt  }
0x5f: {  	_ =	shalt  }
0x60: {  	_ =	shalt  }
0x61: {  	_ =	shalt  }
0x62: {  	_ =	shalt  }
0x63: {  	_ =	shalt  }
0x64: {  	_ =	shalt  }
0x65: {  	_ =	shalt  }
0x66: {  	_ =	shalt  }
0x67: {  	_ =	shalt  }
0x68: {  	_ =	shalt  }
0x69: {  	_ =	shalt  }
0x6a: {  	_ =	shalt  }
0x6b: {  	_ =	shalt  }
0x6c: {  	_ =	shalt  }
0x6d: {  	_ =	shalt  }
0x6e: {  	_ =	shalt  }
0x6f: {  	_ =	shalt  }
0x70: {  	_ =	shalt  }
0x71: {  	_ =	shalt  }
0x72: {  	_ =	shalt  }
0x73: {  	_ =	shalt  }
0x74: {  	_ =	shalt  }
0x75: {  	_ =	shalt  }
0x76: {  	_ =	shalt  }
0x77: {  	_ =	shalt  }
0x78: {  	_ =	shalt  }
0x79: {  	_ =	shalt  }
0x7a: {  	_ =	shalt  }
0x7b: {  	_ =	shalt  }
0x7c: {  	_ =	shalt  }
0x7d: {  	_ =	shalt  }
0x7e: {  	_ =	shalt  }
0x7f: {  	_ =	shalt  }
0x80: {  	_ =	shalt  }
0x81: {  	_ =	shalt  }
0x82: {  	_ =	shalt  }
0x83: {  	_ =	shalt  }
0x84: {  	_ =	shalt  }
0x85: {  	_ =	shalt  }
0x86: {  	_ =	shalt  }
0x87: {  	_ =	shalt  }
.Lfunc_end0:
.L_simem_size_0:
called_computation_lowered:
.L_overlay_start_0:
0x88: {  	s2 =	sld [smem:$0x3FD9]  }
0x89: {  	s3 =	sld [smem:$0x3FFE];
	_ =	sdelay $0x1  }
0x8a: {  	s1 =	srdreg.scid  }
0x8b: {  	s0 =	sand.u32 $0x1, s1  }
0x8c: {  	s16 =	sshll.u32 s0, $0xA;
	s2 =	sadd.s32 s3, s2  }
0x8d: {  	s2 =	sadd.s32 s2, s16  }
0x8e: {  	[smem:$0x3FC6] =	sst s2  }
0x8f: {  	_ = 	snop  }
0x90: {  	(tm) =	ssettm $0x1  }
0x91: {  	s17 =	sld [smem:$0x3FFB];
	_ =	sdelay $0x3  }
0x92: {  	_ =	strace s17  }
0x93: {  	s2 =	sld [smem:$0x3FFC];
	_ =	sdelay $0x3  }
0x94: {  	_ =	strace s2  }
0x95: {  	s2 =	sld [smem:$0x3FFD];
	_ =	sdelay $0x3  }
0x96: {  	_ =	strace s2  }
0x97: {  	_ =	strace $0x8FFFFFFF  }
0x98: {  	s18 =	sld [smem:$0x3FDB];
	_ =	sdelay $0x1  }
0x99: {  	s19 =	simm.s32 $_scs_section_size  }
0x9a: {  	s4 =	simm.s32 $_size__tile_overlayer_lowered;
	s5 =	simm.s32 $_tile_overlayer_lowered  }
0x9b: {  	s22 =	simm.s32 $0x1BFF;
	s21 =	sshll.u32 s5, $0x1;
	s2 =	sadd.s32 s19, s18  }
0x9c: {  	s6 =	simm.s32 $0x0;
	s20 =	sshll.u32 s4, $0x1;
	s4 =	sadd.s32 s21, s2  }
0x9d: {  	[timem:s6], [sflag:s22] =	dma.local [hbm:s4], s20  }
0x9e: {  	_ =	swait.ge [sflag:s22], s20  }
0x9f: {  	s3 =	ssub.s32 $0x0, s20;
	[sflag:s22] =	ssyncset.done $0x0  }
0xa0: {  	[sflag:s22] =	ssyncadd.s32 s3;
	_ =	sdelay $0x1  }
0xa1: {  	s23 =	simm.s32 $0x1B8B  }
0xa2: {  	_ =	swait.ge [sflag:s23], $0x1  }
0xa3: {  	[sflag:s23] =	ssyncset.done $0x0  }
0xa4: {  	s25 =	simm.s32 $0x1B8E;
	s24 =	sld [smem:$0x3FFE];
	[sflag:s23] =	ssyncadd.s32 $0xFFFFFFFF  }
0xa5: {  	s26 =	simm.s32 $execute0_lowered;
	[smem:$0x3FD2] =	sst s25  }
0xa6: {  	s4 =	sshll.u32 s26, $0x1;
	_ =	strace $0x80000046;
	[dreg:$0x1] =	wrdreg $0xFFFFFFFF  }
0xa7: {  	s28 =	simm.s32 $_size_execute0_lowered;
	s2 =	sadd.s32 s2, s4;
	[dreg:$0x0] =	wrdreg $0x0  }
0xa8: {  	s4 =	sshll.u32 s28, $0x1;
	[dreg:$0x2] =	wrdreg s2  }
0xa9: {  	[dreg:$0x3] =	wrdreg s4  }
0xaa: {  	[dreg:$0x4] =	wrdreg $0xC0  }
0xab: {  	_ =	task [dreg:s6], $0x5FFFF  }
0xac: {  	[dreg:$0x1] =	wrdreg $0xFFFFFFFF  }
0xad: {  	[dreg:$0x0] =	wrdreg $0x60  }
0xae: {  	[dreg:$0x2] =	wrdreg s24  }
0xaf: {  	[dreg:$0x3] =	wrdreg $0x9  }
0xb0: {  	_ =	task.clear_ibuf [dreg:s6], $0x4FFFF;
	_ =	strace $0x90000046  }
0xb1: {  	s29 =	simm.s32 $0x9;
	_ =	strace $0x80000048  }
0xb2: {  	_ =	swait.ge [sflag:s29], $0x1  }
0xb3: {  	[sflag:s29] =	ssyncadd.s32 $0xFFFFFFFF  }
0xb4: {  	_ =	strace $0x90000048  }
0xb5: {  	_ =	sfence  }
0xb6: {  	s30 =	sld [smem:$0x0];
	_ =	sdelay $0x2  }
0xb7: {  	s31 =	sshll.u32 s1, $0xD;
	s1 =	sshrl.u32 s1, $0x2  }
0xb8: {  	s3 =	sand.u32 $0x4000, s31;
	s1 =	sadd.s32 s1, s30  }
0xb9: {  	s0 =	sor.u32 s3, s0;
	s1 =	sshll.u32 s1, $0x11  }
0xba: {  	s0 =	sor.u32 s1, s0  }
0xbb: {  	s0 =	sadd.s32 $0x8F2B, s0  }
0xbc: {  	[sflag:s0] =	ssyncadd.remote.s32 $0x1  }
0xbd: {  	_ =	sfence.sel $0xFFFF  }
0xbe: {  	[dreg:$0x0] =	wrdreg $0xFFFFFFFF;
	(pc) =	sbr.abs _section_cstart, $3  }
0xbf: {  	[dreg:$0x1] =	wrdreg $0xFFFFFFFF  }
0xc0: {  	_ =	task.clear_ibuf [dreg:s6], $0x2FFFF;
	_ =	strace $0x9FFFFFFF  }
0xc1: {  	(tm) =	ssettm $0x7FFFFFFF  }
tec
execute0_lowered:
.L_overlay_start_1:
0x0: {  	(tag) =	ssettag $0x1  }
0x1: {  	v0 =	vimm.s32 $0xEFCDAB89;
	v1 =	vimm.s32 $0x67452301  }
0x2: {  	v0 =	vunpack.c.l.s4.s8 v0;
	v1 =	vunpack.c.l.s4.s8 v1  }
0x3: {  	v2 =	vimm.s32 $0xDCFE98BA;
	v4 =	vimm.s32 $0xBA98FEDC;
	v5 =	vimm.s32 $0x32107654  }
0x4: {  	s5 =	rddreg [dreg:$0x0];
	v2 =	vunpack.c.l.s4.s8 v2;
	v3 =	vunpack.c.0.s8.s32 v0;
	v1 =	vunpack.c.0.s8.s32 v1  }
0x5: {  	s0 =	rddreg [dreg:$0x1];
	s1 =	simm.s32 $0x0;
	s3 =	srdreg.scid;
	v6 =	vimm.s32 $0xFEDCBA98;
	v7 =	vimm.s32 $0x76543210;
	v4 =	vunpack.c.l.s4.s8 v4  }
0x6: {  	s2 =	stileid.u32;
	s10 =	simm.s32 $0x1;
	s11 =	simm.s32 $0x2;
	v3 =	vcombine.low v1, v3;
	v1 =	vunpack.c.0.s8.s32 v2;
	v2 =	vimm.s32 $0x54761032  }
0x7: {  	s12 =	simm.s32 $0x8000;
	s13 =	simm.s32 $0x3;
	s14 =	simm.s32 $0x0;
	v5 =	vunpack.c.l.s4.s8 v5;
	v6 =	vunpack.c.l.s4.s8 v6;
	v2 =	vunpack.c.l.s4.s8 v2  }
0x8: {  	[smem:$0x7FF] =	sst s1;
	s6 =	sand.u32 $0x1, s3;
	s4 =	sshll.u32 s2, $0xA;
	v7 =	vunpack.c.l.s4.s8 v7;
	v4 =	vunpack.c.0.s8.s32 v4  }
0x9: {  	s3 =	sadd.s32 $0x400, s5;
	s7 =	sshll.u32 s6, $0x9;
	s6 =	ssub.s32 $0x2, s6;
	v5 =	vunpack.c.0.s8.s32 v5;
	v6 =	vunpack.c.0.s8.s32 v6;
	v2 =	vunpack.c.0.s8.s32 v2  }
0xa: {  	vm0 =	vmmov $0xff;
	_ =	strace $0x80000047;
	v0 =	vimm.s32 $0x0;
	s4 =	sor.u32 s7, s4;
	s8 =	sshrl.u32 s6, $0x1;
	v7 =	vunpack.c.0.s8.s32 v7  }
0xb: {  	s7 =	sshrl.u32 s4, $0x3;
	s9 =	sshll.u32 s4, $0x7;
	s8 =	ssub.s32 s6, s8;
	v5 =	vcombine.low v5, v4;
	v6 =	vand.u32 $0xF, v6;
	v8 =	vcombine.low v2, v1  }
0xc: {  	s7 =	sadd.s32 s7, s5;
	s5 =	sadd.s32 s3, s9;
	s8 =	smax.u32 s8, $0x1;
	v6 =	vcombine.low v6, v7;
	v3 =	vand.u32 $0xF, v3;
	v1 =	vlaneseq.u32  }
0xd: {  	s9 =	simm.s32 $0x4000;
	s6 =	sadd.s32 $0x1000, s5;
	s7 =	sadd.s32 $0x200400, s7;
	v5 =	vand.u32 $0xF, v5;
	v2 =	vadd.s32 $0x3D8, v1;
	v4 =	vand.u32 $0xF, v8  }
.LBB2_1:
0xe: {  	[tilespmem:s1], [sflag:$0x1] =	stream.linear.gather [hbm4b:s5+s1], $0x4000, $0x38;
	[tilespmem:$0x8200] =	vst v63  }
0xf: {  	s15 =	simm.s32 $0x0  }
.LBB2_2:
0x10: {  	s17 =	sshll.u32 s15, $0x5  }
0x11: {  	s16 =	sor.u32 $0x10, s17  }
0x12: {  	s18 =	sadd.s32 s4, s16  }
0x13: {  	s18 =	sshll.u32 s18, $0x7  }
0x14: {  	s21 =	simm.s32 $0x0;
	s18 =	sadd.s32 s3, s18  }
0x15: {  	[tilespmem:s9], [sflag:$0x2] =	stream.linear.gather [hbm4b:s18+s21], $0x4000, $0x38;
	[tilespmem:$0x8200] =	vst v63  }
0x16: {  	_ =	swait.ge [sflag:s10], $0x4000  }
0x17: {  	s30 =	sand.u32 $0x2000, s21;
	s19 =	sand.u32 $0x380, s21;
	[sflag:s10] =	ssyncset.done $0x0  }
0x18: {  	s20 =	sor.u32 s19, s30;
	[sflag:s10] =	ssyncadd.s32 $0xFFFFC000  }
0x19: {  	v8 =	vld [tilespmem:s20+$0xC60]  }
0x1a: {  	v10 =	vld [tilespmem:s20+$0x0]  }
0x1b: {  	v13 =	vld [tilespmem:s20+$0x10]  }
0x1c: {  	v14 =	vld [tilespmem:s20+$0xC70]  }
0x1d: {  	v15 =	vld [tilespmem:s20+$0x1000]  }
0x1e: {  	s31 =	sand.u32 $0x7, s21;
	v9 =	vld [tilespmem:s20+$0xC50]  }
0x1f: {  	s18 =	sshll.u32 s31, $0x7;
	v16 =	vld [tilespmem:s20+$0x20]  }
0x20: {  	s19 =	sadd.s32 $0x0, s18;
	v17 =	vld [tilespmem:s20+$0x1010]  }
0x21: {  	s18 =	sor.u32 $0x1C58, s19;
	v18 =	vld [tilespmem:s20+$0x30]  }
0x22: {  	v19 =	vld [tilespmem:s18+$0x0]  }
0x23: {  	v20 =	vld [tilespmem:s20+$0x1020]  }
0x24: {  	v11 =	vld [tilespmem:s20+$0xC40]  }
0x25: {  	v21 =	vld [tilespmem:s20+$0x40]  }
0x26: {  	v7 =	vimm.s32 $0x0;
	v22 =	vld [tilespmem:s20+$0x1030];
	vm1 =	vgt.f32 v13, v10  }
0x27: {  	v12 =	vld [tilespmem:s20+$0xC30];
	vm2 =	vgt.f32 v15, v14;
	vm3 =	vlt.f32 v14, $-Inf;
	vm4 =	vgt.f32 v14, $-Inf  }
0x28: {  	v23 =	vld [tilespmem:s20+$0x1040];
	v10 =	vmax.f32 v10, v13;
	v14 =	vmax.f32 v14, v15;
	v13 =	vsel vm1, $0x1, v0  }
0x29: {  	v24 =	vld [tilespmem:s20+$0x1050];
	vm1 =	vgt.f32 v16, v10;
	vm5 =	vgt.f32 v17, v14;
	v16 =	vmax.f32 v10, v16  }
0x2a: {  	v62 =	vld [tilespmem:s20+$0x1400];
	vm3 =	vmor vm4, vm3;
	v14 =	vmax.f32 v14, v17;
	v10 =	vsel vm0, $0xFF800000, v19  }
0x2b: {  	v15 =	vld [tilespmem:s20+$0x50];
	v19 =	vsel vm1, $0x2, v13;
	vm1 =	vgt.f32 v18, v16;
	vm4 =	vgt.f32 v20, v14  }
0x2c: {  	v17 =	vld [tilespmem:s20+$0x60];
	v16 =	vmax.f32 v16, v18;
	v18 =	vsel vm3, $0x1F, v0;
	v14 =	vmax.f32 v14, v20  }
0x2d: {  	v13 =	vld [tilespmem:s20+$0xC20];
	v19 =	vsel vm1, $0x3, v19;
	vm1 =	vgt.f32 v21, v16;
	vm3 =	vgt.f32 v22, v14  }
0x2e: {  	v20 =	vld [tilespmem:s20+$0x70];
	v16 =	vmax.f32 v16, v21;
	v18 =	vsel vm2, $0x20, v18;
	v14 =	vmax.f32 v14, v22  }
0x2f: {  	v21 =	vld [tilespmem:s20+$0x1060];
	v19 =	vsel vm1, $0x4, v19;
	v18 =	vsel vm5, $0x21, v18;
	vm5 =	vgt.f32 v23, v14  }
0x30: {  	v22 =	vld [tilespmem:s20+$0x400];
	v14 =	vmax.f32 v14, v23;
	vm1 =	vgt.f32 v15, v16;
	v15 =	vmax.f32 v16, v15  }
0x31: {  	v16 =	vld [tilespmem:s20+$0x1070];
	vm6 =	vgt.f32 v24, v14;
	v19 =	vsel vm1, $0x5, v19;
	vm1 =	vgt.f32 v17, v15  }
0x32: {  	v23 =	vld [tilespmem:s20+$0x410];
	v15 =	vmax.f32 v15, v17;
	v17 =	vsel vm4, $0x22, v18;
	v18 =	vmax.f32 v14, v24  }
0x33: {  	v14 =	vld [tilespmem:s20+$0x420];
	v19 =	vsel vm1, $0x6, v19;
	vm1 =	vgt.f32 v20, v15;
	v20 =	vmax.f32 v15, v20  }
0x34: {  	v25 =	vsel vm3, $0x23, v17;
	v17 =	vld [tilespmem:s20+$0x1410];
	vm2 =	vgt.f32 v21, v18;
	v18 =	vmax.f32 v18, v21  }
0x35: {  	v15 =	vld [tilespmem:s20+$0x430];
	v19 =	vsel vm1, $0x7, v19;
	vm3 =	vgt.f32 v22, v20;
	v21 =	vmax.f32 v20, v22  }
0x36: {  	v22 =	vsel vm5, $0x24, v25;
	vm1 =	vgt.f32 v16, v18;
	v63 =	vmax.f32 v18, v16;
	v18 =	vld [tilespmem:s20+$0x1420]  }
0x37: {  	s22 =	simm.s32 $0x1;
	v20 =	vsel vm3, $0x8, v19;
	vm4 =	vgt.f32 v23, v21;
	v21 =	vmax.f32 v21, v23;
	v19 =	vld [tilespmem:s20+$0x1430]  }
0x38: {  	s23 =	simm.s32 $0x0;
	s24 =	simm.s32 $0x0;
	s18 =	simm.s32 $0x0;
	v23 =	vsel vm6, $0x25, v22;
	v16 =	vld [tilespmem:s20+$0x440];
	vm3 =	vgt.f32 v62, v63;
	v22 =	vmax.f32 v63, v62  }
.LBB2_3:
0x39: {  	p0 =	sne.s32 s22, $0xF;
	v20 =	vsel vm4, $0x9, v20;
	vm5 =	vgt.f32 v14, v21;
	v24 =	vld [tilespmem:s20+$0x450];
	vm4 =	vgt.f32 v17, v22  }
0x3a: {  	v14 =	vmax.f32 v21, v14;
	v21 =	vsel vm2, $0x26, v23;
	v17 =	vmax.f32 v22, v17;
	v22 =	vld [tilespmem:s20+$0x1440]  }
0x3b: {  	v20 =	vsel vm5, $0xA, v20;
	vm5 =	vgt.f32 v15, v14;
	v23 =	vld [tilespmem:s20+$0x460];
	vm2 =	vgt.f32 v18, v17  }
0x3c: {  	v14 =	vmax.f32 v14, v15;
	v15 =	vsel vm1, $0x27, v21;
	v17 =	vmax.f32 v17, v18;
	v18 =	vld [tilespmem:s20+$0x1450]  }
0x3d: {  	v20 =	vsel vm5, $0xB, v20;
	vm5 =	vgt.f32 v16, v14;
	v21 =	vld [tilespmem:s20+$0x470];
	vm1 =	vgt.f32 v19, v17  }
0x3e: {  	v15 =	vsel vm3, $0x28, v15;
	v14 =	vmax.f32 v14, v16;
	v16 =	vmax.f32 v17, v19;
	v17 =	vld [tilespmem:s20+$0x1460]  }
0x3f: {  	v19 =	vsel vm5, $0xC, v20;
	vm5 =	vgt.f32 v24, v14;
	v20 =	vld [tilespmem:s20+$0x800];
	vm3 =	vgt.f32 v22, v16  }
0x40: {  	v15 =	vsel vm4, $0x29, v15;
	v14 =	vmax.f32 v14, v24;
	v16 =	vmax.f32 v16, v22;
	v22 =	vld [tilespmem:s20+$0x1470]  }
0x41: {  	v19 =	vsel vm5, $0xD, v19;
	vm5 =	vgt.f32 v23, v14;
	v24 =	vld [tilespmem:s20+$0x810];
	vm4 =	vgt.f32 v18, v16  }
0x42: {  	v15 =	vsel vm2, $0x2A, v15;
	v14 =	vmax.f32 v14, v23;
	v16 =	vmax.f32 v16, v18;
	v18 =	vld [tilespmem:s20+$0x1800]  }
0x43: {  	v19 =	vsel vm5, $0xE, v19;
	vm5 =	vgt.f32 v21, v14;
	v23 =	vld [tilespmem:s20+$0x820];
	vm2 =	vgt.f32 v17, v16  }
0x44: {  	v15 =	vsel vm1, $0x2B, v15;
	v14 =	vmax.f32 v14, v21;
	v16 =	vmax.f32 v16, v17;
	v17 =	vld [tilespmem:s20+$0x1810]  }
0x45: {  	v19 =	vsel vm5, $0xF, v19;
	vm5 =	vgt.f32 v20, v14;
	v21 =	vld [tilespmem:s20+$0x830];
	vm1 =	vgt.f32 v22, v16  }
0x46: {  	v15 =	vsel vm3, $0x2C, v15;
	v14 =	vmax.f32 v14, v20;
	v16 =	vmax.f32 v16, v22;
	v20 =	vld [tilespmem:s20+$0x1820]  }
0x47: {  	v19 =	vsel vm5, $0x10, v19;
	vm3 =	vgt.f32 v24, v14;
	v22 =	vld [tilespmem:s20+$0x840];
	vm5 =	vgt.f32 v18, v16  }
0x48: {  	v15 =	vsel vm4, $0x2D, v15;
	v14 =	vmax.f32 v14, v24;
	v16 =	vmax.f32 v16, v18;
	v18 =	vld [tilespmem:s20+$0x1830]  }
0x49: {  	v19 =	vsel vm3, $0x11, v19;
	vm3 =	vgt.f32 v23, v14;
	v24 =	vld [tilespmem:s20+$0x850];
	vm6 =	vgt.f32 v17, v16  }
0x4a: {  	v15 =	vsel vm2, $0x2E, v15;
	v14 =	vmax.f32 v14, v23;
	v16 =	vmax.f32 v16, v17;
	v17 =	vld [tilespmem:s20+$0x1840]  }
0x4b: {  	v19 =	vsel vm3, $0x12, v19;
	vm3 =	vgt.f32 v21, v14;
	v23 =	vld [tilespmem:s20+$0x860];
	vm2 =	vgt.f32 v20, v16  }
0x4c: {  	v15 =	vsel vm1, $0x2F, v15;
	v14 =	vmax.f32 v14, v21;
	v16 =	vmax.f32 v16, v20;
	v20 =	vld [tilespmem:s20+$0x1850]  }
0x4d: {  	v19 =	vsel vm3, $0x13, v19;
	vm1 =	vgt.f32 v22, v14;
	v21 =	vld [tilespmem:s20+$0x870];
	vm3 =	vgt.f32 v18, v16  }
0x4e: {  	v15 =	vsel vm5, $0x30, v15;
	v14 =	vmax.f32 v14, v22;
	v16 =	vmax.f32 v16, v18;
	v18 =	vld [tilespmem:s20+$0x1860]  }
0x4f: {  	v19 =	vsel vm1, $0x14, v19;
	vm1 =	vgt.f32 v24, v14;
	v22 =	vld [tilespmem:s20+$0xC00];
	vm4 =	vgt.f32 v17, v16  }
0x50: {  	v15 =	vsel vm6, $0x31, v15;
	v14 =	vmax.f32 v14, v24;
	v16 =	vmax.f32 v16, v17;
	v17 =	vld [tilespmem:s20+$0x1870]  }
0x51: {  	v19 =	vsel vm1, $0x15, v19;
	vm5 =	vgt.f32 v23, v14;
	v24 =	vld [tilespmem:s20+$0xC10];
	vm1 =	vgt.f32 v20, v16;
	s20 =	sor.u32 $0x1C00, s19  }
0x52: {  	v15 =	vsel vm2, $0x32, v15;
	v14 =	vmax.f32 v14, v23;
	v16 =	vmax.f32 v16, v20;
	v20 =	vld [tilespmem:s20+$0x0];
	s20 =	sor.u32 $0x1C10, s19  }
0x53: {  	v19 =	vsel vm5, $0x16, v19;
	vm5 =	vgt.f32 v21, v14;
	vm2 =	vgt.f32 v18, v16;
	v23 =	vld [tilespmem:s20+$0x0];
	s20 =	sor.u32 $0x1C20, s19  }
0x54: {  	v15 =	vsel vm3, $0x33, v15;
	v14 =	vmax.f32 v14, v21;
	v16 =	vmax.f32 v16, v18;
	v18 =	vld [tilespmem:s20+$0x0];
	s20 =	sor.u32 $0x1C30, s19  }
0x55: {  	v19 =	vsel vm5, $0x17, v19;
	vm5 =	vgt.f32 v22, v14;
	vm3 =	vgt.f32 v17, v16;
	v21 =	vld [tilespmem:s20+$0x0];
	s20 =	sor.u32 $0x1C40, s19  }
0x56: {  	v15 =	vsel vm4, $0x34, v15;
	v14 =	vmax.f32 v14, v22;
	v16 =	vmax.f32 v16, v17;
	s19 =	sor.u32 $0x1C50, s19;
	v17 =	vld [tilespmem:s20+$0x0]  }
0x57: {  	v19 =	vsel vm5, $0x18, v19;
	v22 =	vmax.f32 v14, v24;
	v25 =	vmax.f32 v16, v20;
	v26 =	vld [tilespmem:s19+$0x0]  }
0x58: {  	vm5 =	vgt.f32 v24, v14;
	v14 =	vmax.f32 v22, v13;
	v24 =	vmax.f32 v25, v23  }
0x59: {  	vm4 =	vgt.f32 v20, v16;
	v27 =	vmax.f32 v14, v12;
	v16 =	vmax.f32 v24, v18  }
0x5a: {  	v15 =	vsel vm1, $0x35, v15;
	v20 =	vmax.f32 v27, v11;
	v28 =	vmax.f32 v16, v21  }
0x5b: {  	v19 =	vsel vm5, $0x19, v19;
	v29 =	vmax.f32 v20, v9;
	v30 =	vmax.f32 v28, v17  }
0x5c: {  	vm1 =	vgt.f32 v13, v22;
	v13 =	vmax.f32 v29, v8;
	v22 =	vmax.f32 v30, v26  }
0x5d: {  	v15 =	vsel vm2, $0x36, v15;
	vm2 =	vgt.f32 v23, v25;
	v23 =	vmax.f32 v13, v22  }
0x5e: {  	v19 =	vsel vm1, $0x1A, v19;
	vm1 =	vgt.f32 v12, v14;
	v12 =	vmax.f32 v23, v10  }
0x5f: {  	v14 =	vsel vm3, $0x37, v15;
	vm3 =	vgt.f32 v18, v24;
	v15 =	vperm.xlane v12, v3  }
0x60: {  	s21 =	sadd.s32 $0x80, s21;
	s23 =	sadd.s32 $0x400, s23;
	v18 =	vsel vm1, $0x1B, v19;
	vm1 =	vgt.f32 v11, v27;
	vm5 =	vgt.f32 v21, v16  }
0x61: {  	s20 =	sand.u32 $0x380, s21;
	s19 =	sand.u32 $0x2000, s23;
	v14 =	vsel vm4, $0x38, v14;
	v11 =	vsel vm1, $0x1C, v18;
	v15 =	vmax.f32 v12, v15  }
0x62: {  	s20 =	sor.u32 s20, s19;
	vm1 =	vgt.f32 v9, v20;
	v9 =	vsel vm2, $0x39, v14;
	v14 =	vperm.xlane v15, v4  }
0x63: {  	v11 =	vsel vm1, $0x1D, v11;
	v9 =	vsel vm3, $0x3A, v9;
	vm1 =	vgt.f32 v17, v28;
	v16 =	vld [tilespmem:s20+$0xC60]  }
0x64: {  	vm2 =	vgt.f32 v8, v29;
	v8 =	vsel vm5, $0x3B, v9;
	v17 =	vld [tilespmem:s20+$0x0];
	v9 =	vmax.f32 v15, v14  }
0x65: {  	v8 =	vsel vm1, $0x3C, v8;
	vm1 =	vgt.f32 v26, v30;
	v14 =	vld [tilespmem:s20+$0x10];
	v15 =	vperm.xlane v9, v5  }
0x66: {  	v11 =	vsel vm2, $0x1E, v11;
	v20 =	vsel vm1, $0x3D, v8;
	vm1 =	vgt.f32 v22, v13;
	v18 =	vld [tilespmem:s20+$0xC70]  }
0x67: {  	s24 =	sadd.s32 $0x1, s24;
	v19 =	vsel vm1, v20, v11;
	vm1 =	vgt.f32 v10, v23;
	v13 =	vld [tilespmem:s20+$0x1000];
	v10 =	vmax.f32 v9, v15  }
0x68: {  	s19 =	sand.u32 $0x7, s24;
	v11 =	vsel vm1, $0x3E, v19;
	v9 =	vld [tilespmem:s20+$0xC50];
	v15 =	vperm.xlane v10, v6;
	v8 =	vmov v16  }
0x69: {  	s19 =	sshll.u32 s19, $0x7;
	v20 =	vmov s18;
	s18 =	smov.u32 s22;
	v19 =	vshll.u32 v11, $0x4;
	v16 =	vld [tilespmem:s20+$0x20]  }
0x6a: {  	s19 =	sadd.s32 s19, s23;
	vm1 =	veq.s32 v11, $0x3E;
	v19 =	vor.u32 v1, v19;
	v21 =	vld [tilespmem:s20+$0x1010];
	v10 =	vmax.f32 v10, v15  }
0x6b: {  	s25 =	sor.u32 $0x1C58, s19;
	v11 =	vsel vm1, v2, v19;
	vm1 =	veq.s32 v20, v1;
	v15 =	vld [tilespmem:s20+$0x30];
	vm3 =	veq.f32 v12, v10  }
0x6c: {  	vm4 =	vgt.f32 v14, v17;
	vm2 =	vgt.f32 v13, v18;
	v10 =	vld [tilespmem:s25+$0x0];
	v12 =	vnsel vm3, $0x3E8, v11  }
0x6d: {  	vm6 =	vgt.f32 v18, $-Inf;
	vm3 =	vlt.f32 v18, $-Inf;
	v19 =	vld [tilespmem:s20+$0x1020];
	v20 =	vperm.xlane v12, v3  }
0x6e: {  	v14 =	vmax.f32 v17, v14;
	v17 =	vsel vm4, $0x1, v0;
	v13 =	vmax.f32 v18, v13;
	v11 =	vld [tilespmem:s20+$0xC40]  }
0x6f: {  	vm4 =	vgt.f32 v16, v14;
	v18 =	vld [tilespmem:s20+$0x40];
	vm5 =	vgt.f32 v21, v13;
	vm7 =	vlt.s32 v12, v20  }
0x70: {  	vm3 =	vmor vm6, vm3;
	v14 =	vmax.f32 v14, v16;
	v16 =	vld [tilespmem:s20+$0x1030];
	v20 =	vsel vm7, v12, v20  }
0x71: {  	v13 =	vmax.f32 v13, v21;
	v12 =	vld [tilespmem:s20+$0xC30];
	v10 =	vsel vm0, $0xFF800000, v10;
	v21 =	vperm.xlane v20, v4  }
0x72: {  	v17 =	vsel vm4, $0x2, v17;
	vm6 =	vgt.f32 v15, v14;
	v22 =	vld [tilespmem:s20+$0x50];
	vm4 =	vgt.f32 v19, v13  }
0x73: {  	v14 =	vmax.f32 v14, v15;
	v15 =	vsel vm3, $0x1F, v0;
	v23 =	vld [tilespmem:s20+$0x1040];
	vm3 =	vlt.s32 v20, v21  }
0x74: {  	v17 =	vsel vm6, $0x3, v17;
	v19 =	vmax.f32 v13, v19;
	v24 =	vld [tilespmem:s20+$0x60];
	v20 =	vsel vm3, v20, v21  }
0x75: {  	vm6 =	vgt.f32 v18, v14;
	vm3 =	vgt.f32 v16, v19;
	v21 =	vld [tilespmem:s20+$0x1050];
	v25 =	vperm.xlane v20, v5  }
0x76: {  	v15 =	vsel vm2, $0x20, v15;
	v14 =	vmax.f32 v14, v18;
	v16 =	vmax.f32 v19, v16;
	v13 =	vld [tilespmem:s20+$0xC20]  }
0x77: {  	v17 =	vsel vm6, $0x4, v17;
	vm2 =	vgt.f32 v22, v14;
	v18 =	vld [tilespmem:s20+$0x70];
	vm6 =	vlt.s32 v20, v25  }
0x78: {  	v15 =	vsel vm5, $0x21, v15;
	vm5 =	vgt.f32 v23, v16;
	v19 =	vld [tilespmem:s20+$0x1060];
	v20 =	vsel vm6, v20, v25  }
0x79: {  	v14 =	vmax.f32 v14, v22;
	v16 =	vmax.f32 v16, v23;
	v22 =	vld [tilespmem:s20+$0x400];
	v23 =	vperm.xlane v20, v6  }
0x7a: {  	v17 =	vsel vm2, $0x5, v17;
	vm2 =	vgt.f32 v24, v14;
	vm6 =	vgt.f32 v21, v16;
	v25 =	vld [tilespmem:s20+$0x1070]  }
0x7b: {  	v15 =	vsel vm4, $0x22, v15;
	v24 =	vmax.f32 v14, v24;
	v26 =	vld [tilespmem:s20+$0x410];
	vm4 =	vlt.s32 v20, v23  }
0x7c: {  	v27 =	vsel vm2, $0x6, v17;
	v16 =	vmax.f32 v16, v21;
	v28 =	vld [tilespmem:s20+$0x1400];
	v17 =	vsel vm4, v20, v23  }
0x7d: {  	vm4 =	vgt.f32 v18, v24;
	v14 =	vld [tilespmem:s20+$0x420];
	vm2 =	vgt.f32 v19, v16;
	v7 =	vsel vm1, v17, v7  }
.Ltmp0:
0x7e: {  	v18 =	vmax.f32 v24, v18;
	v20 =	vsel vm3, $0x23, v15;
	v16 =	vmax.f32 v16, v19;
	v17 =	vld [tilespmem:s20+$0x1410];
	(pc) =	sbr.rel @p0 .LBB2_3-.Ltmp0, $4  }
0x7f: {  	v19 =	vsel vm4, $0x7, v27;
	vm3 =	vgt.f32 v22, v18;
	v15 =	vld [tilespmem:s20+$0x430];
	vm1 =	vgt.f32 v25, v16  }
0x80: {  	v21 =	vmax.f32 v18, v22;
	v22 =	vsel vm5, $0x24, v20;
	v24 =	vmax.f32 v16, v25;
	v18 =	vld [tilespmem:s20+$0x1420]  }
0x81: {  	v20 =	vsel vm3, $0x8, v19;
	vm4 =	vgt.f32 v26, v21;
	v16 =	vld [tilespmem:s20+$0x440];
	vm3 =	vgt.f32 v28, v24  }
0x82: {  	s22 =	sadd.s32 $0x1, s22;
	v23 =	vsel vm6, $0x25, v22;
	v21 =	vmax.f32 v21, v26;
	v22 =	vmax.f32 v24, v28;
	v19 =	vld [tilespmem:s20+$0x1430]  }
0x83: {  	v20 =	vsel vm4, $0x9, v20  }
0x84: {  	vm4 =	vgt.f32 v14, v21;
	v24 =	vld [tilespmem:s20+$0x450];
	vm5 =	vgt.f32 v17, v22;
	v14 =	vmax.f32 v21, v14  }
0x85: {  	v21 =	vsel vm2, $0x26, v23;
	v17 =	vmax.f32 v22, v17;
	v22 =	vld [tilespmem:s20+$0x1440];
	v20 =	vsel vm4, $0xA, v20  }
0x86: {  	v23 =	vld [tilespmem:s20+$0x460];
	vm2 =	vgt.f32 v15, v14;
	v14 =	vmax.f32 v14, v15;
	v15 =	vsel vm1, $0x27, v21  }
0x87: {  	v56 =	vld [tilespmem:s20+$0x810];
	vm4 =	vgt.f32 v18, v17;
	v17 =	vmax.f32 v17, v18;
	v20 =	vsel vm2, $0xB, v20  }
0x88: {  	v18 =	vld [tilespmem:s20+$0x1450];
	v15 =	vsel vm3, $0x28, v15;
	vm1 =	vgt.f32 v16, v14;
	v14 =	vmax.f32 v14, v16  }
0x89: {  	v21 =	vld [tilespmem:s20+$0x470];
	v15 =	vsel vm5, $0x29, v15;
	vm2 =	vgt.f32 v19, v17;
	v16 =	vmax.f32 v17, v19  }
0x8a: {  	v17 =	vld [tilespmem:s20+$0x1460];
	v19 =	vsel vm1, $0xC, v20;
	v15 =	vsel vm4, $0x2A, v15;
	vm1 =	vgt.f32 v24, v14  }
0x8b: {  	v20 =	vld [tilespmem:s20+$0x800];
	vm3 =	vgt.f32 v22, v16;
	v14 =	vmax.f32 v14, v24;
	v16 =	vmax.f32 v16, v22  }
0x8c: {  	v22 =	vld [tilespmem:s20+$0x1470];
	v15 =	vsel vm2, $0x2B, v15;
	v19 =	vsel vm1, $0xD, v19;
	vm1 =	vgt.f32 v23, v14  }
0x8d: {  	v57 =	vld [tilespmem:s20+$0x850];
	v14 =	vmax.f32 v14, v23;
	v15 =	vsel vm3, $0x2C, v15;
	vm5 =	vgt.f32 v18, v16  }
0x8e: {  	v23 =	vld [tilespmem:s20+$0x820];
	v16 =	vmax.f32 v16, v18;
	v19 =	vsel vm1, $0xE, v19;
	vm1 =	vgt.f32 v21, v14  }
0x8f: {  	v18 =	vld [tilespmem:s20+$0x1800];
	v14 =	vmax.f32 v14, v21;
	v19 =	vsel vm1, $0xF, v19;
	v15 =	vsel vm5, $0x2D, v15  }
0x90: {  	v21 =	vld [tilespmem:s20+$0x830];
	vm4 =	vgt.f32 v17, v16;
	v16 =	vmax.f32 v16, v17;
	vm1 =	vgt.f32 v20, v14  }
0x91: {  	v17 =	vld [tilespmem:s20+$0x1810];
	v14 =	vmax.f32 v14, v20;
	vm2 =	vgt.f32 v22, v16;
	v16 =	vmax.f32 v16, v22  }
0x92: {  	v20 =	vld [tilespmem:s20+$0x1820];
	v19 =	vsel vm1, $0x10, v19;
	vm1 =	vgt.f32 v56, v14;
	v14 =	vmax.f32 v14, v56  }
0x93: {  	v22 =	vld [tilespmem:s20+$0x840];
	v15 =	vsel vm4, $0x2E, v15;
	v19 =	vsel vm1, $0x11, v19;
	vm1 =	vgt.f32 v23, v14  }
0x94: {  	v58 =	vld [tilespmem:s20+$0xC10];
	v14 =	vmax.f32 v14, v23;
	v15 =	vsel vm2, $0x2F, v15;
	vm3 =	vgt.f32 v18, v16  }
0x95: {  	v16 =	vmax.f32 v16, v18;
	v18 =	vld [tilespmem:s20+$0x1830];
	v19 =	vsel vm1, $0x12, v19;
	vm1 =	vgt.f32 v21, v14  }
0x96: {  	v23 =	vld [tilespmem:s20+$0x860];
	v14 =	vmax.f32 v14, v21;
	vm5 =	vgt.f32 v17, v16;
	v16 =	vmax.f32 v16, v17  }
0x97: {  	v19 =	vsel vm1, $0x13, v19;
	v15 =	vsel vm3, $0x30, v15;
	v17 =	vld [tilespmem:s20+$0x1840];
	vm4 =	vgt.f32 v20, v16  }
0x98: {  	v16 =	vmax.f32 v16, v20;
	v20 =	vld [tilespmem:s20+$0x1850];
	vm1 =	vgt.f32 v22, v14;
	v14 =	vmax.f32 v14, v22  }
0x99: {  	v21 =	vld [tilespmem:s20+$0x870];
	v15 =	vsel vm5, $0x31, v15;
	v19 =	vsel vm1, $0x14, v19;
	vm1 =	vgt.f32 v57, v14  }
0x9a: {  	v14 =	vmax.f32 v14, v57;
	vm6 =	vgt.f32 v18, v16;
	v16 =	vmax.f32 v16, v18;
	v18 =	vld [tilespmem:s20+$0x1860]  }
0x9b: {  	v22 =	vld [tilespmem:s20+$0xC00];
	v15 =	vsel vm4, $0x32, v15;
	v19 =	vsel vm1, $0x15, v19;
	vm2 =	vgt.f32 v23, v14  }
0x9c: {  	s22 =	sor.u32 $0x1C00, s19;
	v14 =	vmax.f32 v14, v23;
	vm7 =	vgt.f32 v17, v16;
	v16 =	vmax.f32 v16, v17;
	v17 =	vld [tilespmem:s20+$0x1870]  }
0x9d: {  	s23 =	sor.u32 $0x1C10, s19;
	v19 =	vsel vm2, $0x16, v19;
	vm1 =	vgt.f32 v20, v16;
	v16 =	vmax.f32 v16, v20;
	v20 =	vld [tilespmem:s22+$0x0]  }
0x9e: {  	s24 =	sor.u32 $0x1C20, s19;
	v23 =	vld [tilespmem:s23+$0x0];
	vm3 =	vgt.f32 v21, v14;
	v14 =	vmax.f32 v14, v21;
	v15 =	vsel vm6, $0x33, v15  }
0x9f: {  	s25 =	sor.u32 $0x1C30, s19;
	v19 =	vsel vm3, $0x17, v19;
	vm2 =	vgt.f32 v18, v16;
	v16 =	vmax.f32 v16, v18;
	v18 =	vld [tilespmem:s24+$0x0]  }
0xa0: {  	s26 =	sor.u32 $0x1C40, s19;
	v21 =	vld [tilespmem:s25+$0x0];
	vm4 =	vgt.f32 v22, v14;
	v14 =	vmax.f32 v14, v22;
	v15 =	vsel vm7, $0x34, v15  }
0xa1: {  	s28 =	sor.u32 $0x1C50, s19;
	v19 =	vsel vm4, $0x18, v19;
	vm3 =	vgt.f32 v17, v16;
	v16 =	vmax.f32 v16, v17;
	v17 =	vld [tilespmem:s26+$0x0]  }
0xa2: {  	v26 =	vld [tilespmem:s28+$0x0];
	v22 =	vmax.f32 v14, v58;
	vm4 =	vgt.f32 v58, v14;
	v25 =	vmax.f32 v16, v20  }
0xa3: {  	v15 =	vsel vm1, $0x35, v15;
	v14 =	vmax.f32 v22, v13;
	v59 =	vmax.f32 v25, v23  }
0xa4: {  	v27 =	vmax.f32 v14, v12;
	vm5 =	vgt.f32 v20, v16;
	v16 =	vmax.f32 v59, v18  }
0xa5: {  	v19 =	vsel vm4, $0x19, v19;
	v20 =	vmax.f32 v27, v11;
	v28 =	vmax.f32 v16, v21  }
0xa6: {  	vm1 =	vgt.f32 v13, v22;
	v29 =	vmax.f32 v20, v9;
	v30 =	vmax.f32 v28, v17  }
0xa7: {  	v15 =	vsel vm2, $0x36, v15;
	v13 =	vmax.f32 v29, v8;
	v22 =	vmax.f32 v30, v26  }
0xa8: {  	v19 =	vsel vm1, $0x1A, v19;
	vm2 =	vgt.f32 v23, v25;
	v23 =	vmax.f32 v13, v22  }
0xa9: {  	vm1 =	vgt.f32 v12, v14;
	v14 =	vsel vm3, $0x37, v15;
	v12 =	vmax.f32 v23, v10  }
0xaa: {  	v14 =	vsel vm5, $0x38, v14;
	v15 =	vperm.xlane v12, v3  }
0xab: {  	vm3 =	vgt.f32 v18, v59;
	v18 =	vsel vm1, $0x1B, v19;
	vm1 =	vgt.f32 v11, v27  }
0xac: {  	vm4 =	vgt.f32 v21, v16;
	v11 =	vsel vm1, $0x1C, v18;
	v15 =	vmax.f32 v12, v15  }
0xad: {  	vm1 =	vgt.f32 v9, v20;
	v9 =	vsel vm2, $0x39, v14;
	v14 =	vperm.xlane v15, v4  }
0xae: {  	vm2 =	vgt.f32 v8, v29;
	v11 =	vsel vm1, $0x1D, v11;
	v9 =	vsel vm3, $0x3A, v9  }
0xaf: {  	vm1 =	vgt.f32 v17, v28;
	v8 =	vsel vm4, $0x3B, v9;
	v9 =	vmax.f32 v15, v14  }
0xb0: {  	v8 =	vsel vm1, $0x3C, v8;
	vm1 =	vgt.f32 v26, v30;
	v14 =	vperm.xlane v9, v5  }
0xb1: {  	v11 =	vsel vm2, $0x1E, v11;
	v8 =	vsel vm1, $0x3D, v8;
	vm1 =	vgt.f32 v22, v13  }
0xb2: {  	v8 =	vsel vm1, v8, v11;
	vm1 =	vgt.f32 v10, v23;
	v9 =	vmax.f32 v9, v14  }
0xb3: {  	v8 =	vsel vm1, $0x3E, v8;
	v10 =	vperm.xlane v9, v6  }
0xb4: {  	v11 =	vshll.u32 v8, $0x4  }
0xb5: {  	vm1 =	veq.s32 v8, $0x3E;
	v11 =	vor.u32 v1, v11;
	v8 =	vmax.f32 v9, v10  }
0xb6: {  	v9 =	vsel vm1, v2, v11;
	vm1 =	veq.f32 v12, v8  }
0xb7: {  	v8 =	vnsel vm1, $0x3E8, v9  }
0xb8: {  	v9 =	vperm.xlane v8, v3;
	_ =	sdelay $0x1  }
0xb9: {  	vm1 =	vlt.s32 v8, v9  }
0xba: {  	v8 =	vsel vm1, v8, v9  }
0xbb: {  	v9 =	vperm.xlane v8, v4;
	_ =	sdelay $0x1  }
0xbc: {  	vm1 =	vlt.s32 v8, v9  }
0xbd: {  	v8 =	vsel vm1, v8, v9  }
0xbe: {  	v9 =	vperm.xlane v8, v5;
	_ =	sdelay $0x1  }
0xbf: {  	vm1 =	vlt.s32 v8, v9  }
0xc0: {  	v8 =	vsel vm1, v8, v9  }
0xc1: {  	v9 =	vperm.xlane v8, v6;
	_ =	sdelay $0x1  }
0xc2: {  	v10 =	vmov s18;
	vm1 =	vlt.s32 v8, v9  }
0xc3: {  	p0 =	seq.s32 s15, $0xF;
	vm2 =	veq.s32 v10, v1;
	v8 =	vsel vm1, v8, v9  }
0xc4: {  	s17 =	sand.u32 $0x3FFFFFE0, s17;
	s18 =	sshll.u32 @!p0 s15, $0xC;
	v7 =	vsel vm2, v8, v7  }
0xc5: {  	[tilespmem:s17+$0x8000] =	vst v7;
	s17 =	sadd.s32 @!p0 s18, s6;
	s18 =	simm.s32 @!p0 $0x0  }
0xc6: {  	[tilespmem:s18], [sflag:$0x1] =	stream.linear.gather @!p0 [hbm4b:s17+s18], $0x4000, $0x38;
	[tilespmem:$0x8200] =	vst v63  }
0xc7: {  	s20 =	simm.s32 $0x0;
	_ =	swait.ge [sflag:s11], $0x4000  }
0xc8: {  	s29 =	sand.u32 $0x2000, s20;
	s30 =	sand.u32 $0x380, s20;
	[sflag:s11] =	ssyncset.done $0x0  }
0xc9: {  	s19 =	sor.u32 s30, s29;
	[sflag:s11] =	ssyncadd.s32 $0xFFFFC000  }
0xca: {  	v8 =	vld [tilespmem:s19+$0x4C60]  }
0xcb: {  	v10 =	vld [tilespmem:s19+$0x4000]  }
0xcc: {  	v13 =	vld [tilespmem:s19+$0x4010]  }
0xcd: {  	v14 =	vld [tilespmem:s19+$0x4C70]  }
0xce: {  	v15 =	vld [tilespmem:s19+$0x5000]  }
0xcf: {  	s31 =	sand.u32 $0x7, s20;
	v9 =	vld [tilespmem:s19+$0x4C50]  }
0xd0: {  	s17 =	sshll.u32 s31, $0x7;
	v16 =	vld [tilespmem:s19+$0x4020]  }
0xd1: {  	s18 =	sadd.s32 $0x0, s17;
	v17 =	vld [tilespmem:s19+$0x5010]  }
0xd2: {  	s17 =	sor.u32 $0x1C58, s18;
	v18 =	vld [tilespmem:s19+$0x4030]  }
0xd3: {  	v19 =	vld [tilespmem:s17+$0x4000]  }
0xd4: {  	v20 =	vld [tilespmem:s19+$0x5020]  }
0xd5: {  	v11 =	vld [tilespmem:s19+$0x4C40]  }
0xd6: {  	v21 =	vld [tilespmem:s19+$0x4040]  }
0xd7: {  	v7 =	vimm.s32 $0x0;
	v22 =	vld [tilespmem:s19+$0x5030];
	vm1 =	vgt.f32 v13, v10  }
0xd8: {  	v12 =	vld [tilespmem:s19+$0x4C30];
	vm2 =	vgt.f32 v15, v14;
	vm3 =	vlt.f32 v14, $-Inf;
	vm4 =	vgt.f32 v14, $-Inf  }
0xd9: {  	v23 =	vld [tilespmem:s19+$0x5040];
	v10 =	vmax.f32 v10, v13;
	v14 =	vmax.f32 v14, v15;
	v13 =	vsel vm1, $0x1, v0  }
0xda: {  	v60 =	vld [tilespmem:s19+$0x5050];
	vm1 =	vgt.f32 v16, v10;
	vm5 =	vgt.f32 v17, v14;
	v16 =	vmax.f32 v10, v16  }
0xdb: {  	v61 =	vld [tilespmem:s19+$0x5400];
	vm3 =	vmor vm4, vm3;
	v14 =	vmax.f32 v14, v17;
	v10 =	vsel vm0, $0xFF800000, v19  }
0xdc: {  	v15 =	vld [tilespmem:s19+$0x4050];
	v19 =	vsel vm1, $0x2, v13;
	vm1 =	vgt.f32 v18, v16;
	vm4 =	vgt.f32 v20, v14  }
0xdd: {  	v17 =	vld [tilespmem:s19+$0x4060];
	v16 =	vmax.f32 v16, v18;
	v18 =	vsel vm3, $0x1F, v0;
	v14 =	vmax.f32 v14, v20  }
0xde: {  	v13 =	vld [tilespmem:s19+$0x4C20];
	v19 =	vsel vm1, $0x3, v19;
	vm1 =	vgt.f32 v21, v16;
	vm3 =	vgt.f32 v22, v14  }
0xdf: {  	v20 =	vld [tilespmem:s19+$0x4070];
	v16 =	vmax.f32 v16, v21;
	v18 =	vsel vm2, $0x20, v18;
	v14 =	vmax.f32 v14, v22  }
0xe0: {  	v21 =	vld [tilespmem:s19+$0x5060];
	v19 =	vsel vm1, $0x4, v19;
	v18 =	vsel vm5, $0x21, v18;
	vm5 =	vgt.f32 v23, v14  }
0xe1: {  	v22 =	vld [tilespmem:s19+$0x4400];
	v14 =	vmax.f32 v14, v23;
	vm1 =	vgt.f32 v15, v16;
	v15 =	vmax.f32 v16, v15  }
0xe2: {  	v16 =	vld [tilespmem:s19+$0x5070];
	vm6 =	vgt.f32 v60, v14;
	v19 =	vsel vm1, $0x5, v19;
	vm1 =	vgt.f32 v17, v15  }
0xe3: {  	v23 =	vld [tilespmem:s19+$0x4410];
	v15 =	vmax.f32 v15, v17;
	v17 =	vsel vm4, $0x22, v18;
	v18 =	vmax.f32 v14, v60  }
0xe4: {  	v14 =	vld [tilespmem:s19+$0x4420];
	v19 =	vsel vm1, $0x6, v19;
	vm1 =	vgt.f32 v20, v15;
	v20 =	vmax.f32 v15, v20  }
0xe5: {  	v62 =	vsel vm3, $0x23, v17;
	v17 =	vld [tilespmem:s19+$0x5410];
	vm2 =	vgt.f32 v21, v18;
	v18 =	vmax.f32 v18, v21  }
0xe6: {  	v15 =	vld [tilespmem:s19+$0x4430];
	v19 =	vsel vm1, $0x7, v19;
	vm3 =	vgt.f32 v22, v20;
	v21 =	vmax.f32 v20, v22  }
0xe7: {  	v22 =	vsel vm5, $0x24, v62;
	vm1 =	vgt.f32 v16, v18;
	v63 =	vmax.f32 v18, v16;
	v18 =	vld [tilespmem:s19+$0x5420]  }
0xe8: {  	s21 =	simm.s32 $0x1;
	v20 =	vsel vm3, $0x8, v19;
	vm4 =	vgt.f32 v23, v21;
	v21 =	vmax.f32 v21, v23;
	v19 =	vld [tilespmem:s19+$0x5430]  }
0xe9: {  	s23 =	simm.s32 $0x0;
	s22 =	simm.s32 $0x0;
	s17 =	simm.s32 $0x0;
	v23 =	vsel vm6, $0x25, v22;
	v16 =	vld [tilespmem:s19+$0x4440];
	vm3 =	vgt.f32 v61, v63;
	v22 =	vmax.f32 v63, v61  }
.LBB2_5:
0xea: {  	p0 =	sne.s32 s21, $0xF;
	v20 =	vsel vm4, $0x9, v20;
	vm5 =	vgt.f32 v14, v21;
	v24 =	vld [tilespmem:s19+$0x4450];
	vm4 =	vgt.f32 v17, v22  }
0xeb: {  	v14 =	vmax.f32 v21, v14;
	v21 =	vsel vm2, $0x26, v23;
	v17 =	vmax.f32 v22, v17;
	v22 =	vld [tilespmem:s19+$0x5440]  }
0xec: {  	v20 =	vsel vm5, $0xA, v20;
	vm5 =	vgt.f32 v15, v14;
	v23 =	vld [tilespmem:s19+$0x4460];
	vm2 =	vgt.f32 v18, v17  }
0xed: {  	v14 =	vmax.f32 v14, v15;
	v15 =	vsel vm1, $0x27, v21;
	v17 =	vmax.f32 v17, v18;
	v18 =	vld [tilespmem:s19+$0x5450]  }
0xee: {  	v20 =	vsel vm5, $0xB, v20;
	vm5 =	vgt.f32 v16, v14;
	v21 =	vld [tilespmem:s19+$0x4470];
	vm1 =	vgt.f32 v19, v17  }
0xef: {  	v15 =	vsel vm3, $0x28, v15;
	v14 =	vmax.f32 v14, v16;
	v16 =	vmax.f32 v17, v19;
	v17 =	vld [tilespmem:s19+$0x5460]  }
0xf0: {  	v19 =	vsel vm5, $0xC, v20;
	vm5 =	vgt.f32 v24, v14;
	v20 =	vld [tilespmem:s19+$0x4800];
	vm3 =	vgt.f32 v22, v16  }
0xf1: {  	v15 =	vsel vm4, $0x29, v15;
	v14 =	vmax.f32 v14, v24;
	v16 =	vmax.f32 v16, v22;
	v22 =	vld [tilespmem:s19+$0x5470]  }
0xf2: {  	v19 =	vsel vm5, $0xD, v19;
	vm5 =	vgt.f32 v23, v14;
	v24 =	vld [tilespmem:s19+$0x4810];
	vm4 =	vgt.f32 v18, v16  }
0xf3: {  	v15 =	vsel vm2, $0x2A, v15;
	v14 =	vmax.f32 v14, v23;
	v16 =	vmax.f32 v16, v18;
	v18 =	vld [tilespmem:s19+$0x5800]  }
0xf4: {  	v19 =	vsel vm5, $0xE, v19;
	vm5 =	vgt.f32 v21, v14;
	v23 =	vld [tilespmem:s19+$0x4820];
	vm2 =	vgt.f32 v17, v16  }
0xf5: {  	v15 =	vsel vm1, $0x2B, v15;
	v14 =	vmax.f32 v14, v21;
	v16 =	vmax.f32 v16, v17;
	v17 =	vld [tilespmem:s19+$0x5810]  }
0xf6: {  	v19 =	vsel vm5, $0xF, v19;
	vm5 =	vgt.f32 v20, v14;
	v21 =	vld [tilespmem:s19+$0x4830];
	vm1 =	vgt.f32 v22, v16  }
0xf7: {  	v15 =	vsel vm3, $0x2C, v15;
	v14 =	vmax.f32 v14, v20;
	v16 =	vmax.f32 v16, v22;
	v20 =	vld [tilespmem:s19+$0x5820]  }
0xf8: {  	v19 =	vsel vm5, $0x10, v19;
	vm3 =	vgt.f32 v24, v14;
	v22 =	vld [tilespmem:s19+$0x4840];
	vm5 =	vgt.f32 v18, v16  }
0xf9: {  	v15 =	vsel vm4, $0x2D, v15;
	v14 =	vmax.f32 v14, v24;
	v16 =	vmax.f32 v16, v18;
	v18 =	vld [tilespmem:s19+$0x5830]  }
0xfa: {  	v19 =	vsel vm3, $0x11, v19;
	vm3 =	vgt.f32 v23, v14;
	v24 =	vld [tilespmem:s19+$0x4850];
	vm6 =	vgt.f32 v17, v16  }
0xfb: {  	v15 =	vsel vm2, $0x2E, v15;
	v14 =	vmax.f32 v14, v23;
	v16 =	vmax.f32 v16, v17;
	v17 =	vld [tilespmem:s19+$0x5840]  }
0xfc: {  	v19 =	vsel vm3, $0x12, v19;
	vm3 =	vgt.f32 v21, v14;
	v23 =	vld [tilespmem:s19+$0x4860];
	vm2 =	vgt.f32 v20, v16  }
0xfd: {  	v15 =	vsel vm1, $0x2F, v15;
	v14 =	vmax.f32 v14, v21;
	v16 =	vmax.f32 v16, v20;
	v20 =	vld [tilespmem:s19+$0x5850]  }
0xfe: {  	v19 =	vsel vm3, $0x13, v19;
	vm1 =	vgt.f32 v22, v14;
	v21 =	vld [tilespmem:s19+$0x4870];
	vm3 =	vgt.f32 v18, v16  }
0xff: {  	v15 =	vsel vm5, $0x30, v15;
	v14 =	vmax.f32 v14, v22;
	v16 =	vmax.f32 v16, v18;
	v18 =	vld [tilespmem:s19+$0x5860]  }
0x100: {  	v19 =	vsel vm1, $0x14, v19;
	vm1 =	vgt.f32 v24, v14;
	v22 =	vld [tilespmem:s19+$0x4C00];
	vm4 =	vgt.f32 v17, v16  }
0x101: {  	v15 =	vsel vm6, $0x31, v15;
	v14 =	vmax.f32 v14, v24;
	v16 =	vmax.f32 v16, v17;
	v17 =	vld [tilespmem:s19+$0x5870]  }
0x102: {  	v19 =	vsel vm1, $0x15, v19;
	vm5 =	vgt.f32 v23, v14;
	v24 =	vld [tilespmem:s19+$0x4C10];
	vm1 =	vgt.f32 v20, v16;
	s19 =	sor.u32 $0x1C00, s18  }
0x103: {  	v15 =	vsel vm2, $0x32, v15;
	v14 =	vmax.f32 v14, v23;
	v16 =	vmax.f32 v16, v20;
	v20 =	vld [tilespmem:s19+$0x4000];
	s19 =	sor.u32 $0x1C10, s18  }
0x104: {  	v19 =	vsel vm5, $0x16, v19;
	vm5 =	vgt.f32 v21, v14;
	vm2 =	vgt.f32 v18, v16;
	v23 =	vld [tilespmem:s19+$0x4000];
	s19 =	sor.u32 $0x1C20, s18  }
0x105: {  	v15 =	vsel vm3, $0x33, v15;
	v14 =	vmax.f32 v14, v21;
	v16 =	vmax.f32 v16, v18;
	v18 =	vld [tilespmem:s19+$0x4000];
	s19 =	sor.u32 $0x1C30, s18  }
0x106: {  	v19 =	vsel vm5, $0x17, v19;
	vm5 =	vgt.f32 v22, v14;
	vm3 =	vgt.f32 v17, v16;
	v21 =	vld [tilespmem:s19+$0x4000];
	s19 =	sor.u32 $0x1C40, s18  }
0x107: {  	v15 =	vsel vm4, $0x34, v15;
	v14 =	vmax.f32 v14, v22;
	v16 =	vmax.f32 v16, v17;
	s18 =	sor.u32 $0x1C50, s18;
	v17 =	vld [tilespmem:s19+$0x4000]  }
0x108: {  	v19 =	vsel vm5, $0x18, v19;
	v22 =	vmax.f32 v14, v24;
	v25 =	vmax.f32 v16, v20;
	v26 =	vld [tilespmem:s18+$0x4000]  }
0x109: {  	vm5 =	vgt.f32 v24, v14;
	v14 =	vmax.f32 v22, v13;
	v24 =	vmax.f32 v25, v23  }
0x10a: {  	vm4 =	vgt.f32 v20, v16;
	v27 =	vmax.f32 v14, v12;
	v16 =	vmax.f32 v24, v18  }
0x10b: {  	v15 =	vsel vm1, $0x35, v15;
	v20 =	vmax.f32 v27, v11;
	v28 =	vmax.f32 v16, v21  }
0x10c: {  	v19 =	vsel vm5, $0x19, v19;
	v29 =	vmax.f32 v20, v9;
	v30 =	vmax.f32 v28, v17  }
0x10d: {  	vm1 =	vgt.f32 v13, v22;
	v13 =	vmax.f32 v29, v8;
	v22 =	vmax.f32 v30, v26  }
0x10e: {  	v15 =	vsel vm2, $0x36, v15;
	vm2 =	vgt.f32 v23, v25;
	v23 =	vmax.f32 v13, v22  }
0x10f: {  	v19 =	vsel vm1, $0x1A, v19;
	vm1 =	vgt.f32 v12, v14;
	v12 =	vmax.f32 v23, v10  }
0x110: {  	v14 =	vsel vm3, $0x37, v15;
	vm3 =	vgt.f32 v18, v24;
	v15 =	vperm.xlane v12, v3  }
0x111: {  	s20 =	sadd.s32 $0x80, s20;
	s22 =	sadd.s32 $0x400, s22;
	v18 =	vsel vm1, $0x1B, v19;
	vm1 =	vgt.f32 v11, v27;
	vm5 =	vgt.f32 v21, v16  }
0x112: {  	s19 =	sand.u32 $0x380, s20;
	s18 =	sand.u32 $0x2000, s22;
	v14 =	vsel vm4, $0x38, v14;
	v11 =	vsel vm1, $0x1C, v18;
	v15 =	vmax.f32 v12, v15  }
0x113: {  	s19 =	sor.u32 s19, s18;
	vm1 =	vgt.f32 v9, v20;
	v9 =	vsel vm2, $0x39, v14;
	v14 =	vperm.xlane v15, v4  }
0x114: {  	v11 =	vsel vm1, $0x1D, v11;
	v9 =	vsel vm3, $0x3A, v9;
	vm1 =	vgt.f32 v17, v28;
	v16 =	vld [tilespmem:s19+$0x4C60]  }
0x115: {  	vm2 =	vgt.f32 v8, v29;
	v8 =	vsel vm5, $0x3B, v9;
	v17 =	vld [tilespmem:s19+$0x4000];
	v9 =	vmax.f32 v15, v14  }
0x116: {  	v8 =	vsel vm1, $0x3C, v8;
	vm1 =	vgt.f32 v26, v30;
	v14 =	vld [tilespmem:s19+$0x4010];
	v15 =	vperm.xlane v9, v5  }
0x117: {  	v11 =	vsel vm2, $0x1E, v11;
	v20 =	vsel vm1, $0x3D, v8;
	vm1 =	vgt.f32 v22, v13;
	v18 =	vld [tilespmem:s19+$0x4C70]  }
0x118: {  	s23 =	sadd.s32 $0x1, s23;
	v19 =	vsel vm1, v20, v11;
	vm1 =	vgt.f32 v10, v23;
	v13 =	vld [tilespmem:s19+$0x5000];
	v10 =	vmax.f32 v9, v15  }
0x119: {  	s18 =	sand.u32 $0x7, s23;
	v11 =	vsel vm1, $0x3E, v19;
	v9 =	vld [tilespmem:s19+$0x4C50];
	v15 =	vperm.xlane v10, v6;
	v8 =	vmov v16  }
0x11a: {  	s18 =	sshll.u32 s18, $0x7;
	v20 =	vmov s17;
	s17 =	smov.u32 s21;
	v19 =	vshll.u32 v11, $0x4;
	v16 =	vld [tilespmem:s19+$0x4020]  }
0x11b: {  	s18 =	sadd.s32 s18, s22;
	vm1 =	veq.s32 v11, $0x3E;
	v19 =	vor.u32 v1, v19;
	v21 =	vld [tilespmem:s19+$0x5010];
	v10 =	vmax.f32 v10, v15  }
0x11c: {  	s24 =	sor.u32 $0x1C58, s18;
	v11 =	vsel vm1, v2, v19;
	vm1 =	veq.s32 v20, v1;
	v15 =	vld [tilespmem:s19+$0x4030];
	vm3 =	veq.f32 v12, v10  }
0x11d: {  	vm4 =	vgt.f32 v14, v17;
	vm2 =	vgt.f32 v13, v18;
	v10 =	vld [tilespmem:s24+$0x4000];
	v12 =	vnsel vm3, $0x3E8, v11  }
0x11e: {  	vm6 =	vgt.f32 v18, $-Inf;
	vm3 =	vlt.f32 v18, $-Inf;
	v19 =	vld [tilespmem:s19+$0x5020];
	v20 =	vperm.xlane v12, v3  }
0x11f: {  	v14 =	vmax.f32 v17, v14;
	v17 =	vsel vm4, $0x1, v0;
	v13 =	vmax.f32 v18, v13;
	v11 =	vld [tilespmem:s19+$0x4C40]  }
0x120: {  	vm4 =	vgt.f32 v16, v14;
	v18 =	vld [tilespmem:s19+$0x4040];
	vm5 =	vgt.f32 v21, v13;
	vm7 =	vlt.s32 v12, v20  }
0x121: {  	vm3 =	vmor vm6, vm3;
	v14 =	vmax.f32 v14, v16;
	v16 =	vld [tilespmem:s19+$0x5030];
	v20 =	vsel vm7, v12, v20  }
0x122: {  	v13 =	vmax.f32 v13, v21;
	v12 =	vld [tilespmem:s19+$0x4C30];
	v10 =	vsel vm0, $0xFF800000, v10;
	v21 =	vperm.xlane v20, v4  }
0x123: {  	v17 =	vsel vm4, $0x2, v17;
	vm6 =	vgt.f32 v15, v14;
	v22 =	vld [tilespmem:s19+$0x4050];
	vm4 =	vgt.f32 v19, v13  }
0x124: {  	v14 =	vmax.f32 v14, v15;
	v15 =	vsel vm3, $0x1F, v0;
	v23 =	vld [tilespmem:s19+$0x5040];
	vm3 =	vlt.s32 v20, v21  }
0x125: {  	v17 =	vsel vm6, $0x3, v17;
	v19 =	vmax.f32 v13, v19;
	v24 =	vld [tilespmem:s19+$0x4060];
	v20 =	vsel vm3, v20, v21  }
0x126: {  	vm6 =	vgt.f32 v18, v14;
	vm3 =	vgt.f32 v16, v19;
	v21 =	vld [tilespmem:s19+$0x5050];
	v25 =	vperm.xlane v20, v5  }
0x127: {  	v15 =	vsel vm2, $0x20, v15;
	v14 =	vmax.f32 v14, v18;
	v16 =	vmax.f32 v19, v16;
	v13 =	vld [tilespmem:s19+$0x4C20]  }
0x128: {  	v17 =	vsel vm6, $0x4, v17;
	vm2 =	vgt.f32 v22, v14;
	v18 =	vld [tilespmem:s19+$0x4070];
	vm6 =	vlt.s32 v20, v25  }
0x129: {  	v15 =	vsel vm5, $0x21, v15;
	vm5 =	vgt.f32 v23, v16;
	v19 =	vld [tilespmem:s19+$0x5060];
	v20 =	vsel vm6, v20, v25  }
0x12a: {  	v14 =	vmax.f32 v14, v22;
	v16 =	vmax.f32 v16, v23;
	v22 =	vld [tilespmem:s19+$0x4400];
	v23 =	vperm.xlane v20, v6  }
0x12b: {  	v17 =	vsel vm2, $0x5, v17;
	vm2 =	vgt.f32 v24, v14;
	vm6 =	vgt.f32 v21, v16;
	v25 =	vld [tilespmem:s19+$0x5070]  }
0x12c: {  	v15 =	vsel vm4, $0x22, v15;
	v24 =	vmax.f32 v14, v24;
	v26 =	vld [tilespmem:s19+$0x4410];
	vm4 =	vlt.s32 v20, v23  }
0x12d: {  	v27 =	vsel vm2, $0x6, v17;
	v16 =	vmax.f32 v16, v21;
	v28 =	vld [tilespmem:s19+$0x5400];
	v17 =	vsel vm4, v20, v23  }
0x12e: {  	vm4 =	vgt.f32 v18, v24;
	v14 =	vld [tilespmem:s19+$0x4420];
	vm2 =	vgt.f32 v19, v16;
	v7 =	vsel vm1, v17, v7  }
.Ltmp1:
0x12f: {  	v18 =	vmax.f32 v24, v18;
	v20 =	vsel vm3, $0x23, v15;
	v16 =	vmax.f32 v16, v19;
	v17 =	vld [tilespmem:s19+$0x5410];
	(pc) =	sbr.rel @p0 .LBB2_5-.Ltmp1, $4  }
0x130: {  	v19 =	vsel vm4, $0x7, v27;
	vm3 =	vgt.f32 v22, v18;
	v15 =	vld [tilespmem:s19+$0x4430];
	vm1 =	vgt.f32 v25, v16  }
0x131: {  	v21 =	vmax.f32 v18, v22;
	v22 =	vsel vm5, $0x24, v20;
	v24 =	vmax.f32 v16, v25;
	v18 =	vld [tilespmem:s19+$0x5420]  }
0x132: {  	v20 =	vsel vm3, $0x8, v19;
	vm4 =	vgt.f32 v26, v21;
	v16 =	vld [tilespmem:s19+$0x4440];
	vm3 =	vgt.f32 v28, v24  }
0x133: {  	s21 =	sadd.s32 $0x1, s21;
	v23 =	vsel vm6, $0x25, v22;
	v21 =	vmax.f32 v21, v26;
	v22 =	vmax.f32 v24, v28;
	v19 =	vld [tilespmem:s19+$0x5430]  }
0x134: {  	v20 =	vsel vm4, $0x9, v20;
	vm14 =	vgt.f32 v14, v21;
	v24 =	vld [tilespmem:s19+$0x4450];
	vm5 =	vgt.f32 v17, v22  }
0x135: {  	v47 =	vmax.f32 v21, v14;
	v48 =	vsel vm2, $0x26, v23;
	v49 =	vmax.f32 v22, v17;
	v50 =	vld [tilespmem:s19+$0x5440]  }
0x136: {  	v51 =	vld [tilespmem:s19+$0x4460];
	v20 =	vsel vm14, $0xA, v20;
	vm2 =	vgt.f32 v15, v47;
	v14 =	vmax.f32 v47, v15  }
0x137: {  	v53 =	vld [tilespmem:s19+$0x5450];
	v52 =	vsel vm1, $0x27, v48;
	vm15 =	vgt.f32 v18, v49;
	v17 =	vmax.f32 v49, v18  }
0x138: {  	v54 =	vld [tilespmem:s19+$0x4470];
	v20 =	vsel vm2, $0xB, v20;
	v15 =	vsel vm3, $0x28, v52;
	vm1 =	vgt.f32 v16, v14  }
0x139: {  	v56 =	vld [tilespmem:s19+$0x5460];
	v14 =	vmax.f32 v14, v16;
	v15 =	vsel vm5, $0x29, v15;
	vm2 =	vgt.f32 v19, v17  }
0x13a: {  	v58 =	vld [tilespmem:s19+$0x4800];
	v55 =	vmax.f32 v17, v19;
	v57 =	vsel vm1, $0xC, v20;
	v15 =	vsel vm15, $0x2A, v15  }
0x13b: {  	v59 =	vld [tilespmem:s19+$0x5470];
	vm1 =	vgt.f32 v24, v14;
	vm3 =	vgt.f32 v50, v55;
	v14 =	vmax.f32 v14, v24  }
0x13c: {  	v60 =	vld [tilespmem:s19+$0x4810];
	v16 =	vmax.f32 v55, v50;
	v15 =	vsel vm2, $0x2B, v15;
	v19 =	vsel vm1, $0xD, v57  }
0x13d: {  	v61 =	vld [tilespmem:s19+$0x5800];
	vm1 =	vgt.f32 v51, v14;
	vm8 =	vgt.f32 v53, v16;
	v14 =	vmax.f32 v14, v51  }
0x13e: {  	v62 =	vld [tilespmem:s19+$0x4820];
	v16 =	vmax.f32 v16, v53;
	v15 =	vsel vm3, $0x2C, v15;
	v19 =	vsel vm1, $0xE, v19  }
0x13f: {  	v63 =	vld [tilespmem:s19+$0x5810];
	vm1 =	vgt.f32 v54, v14;
	vm9 =	vgt.f32 v56, v16;
	v14 =	vmax.f32 v14, v54  }
0x140: {  	v28 =	vld [tilespmem:s19+$0x4830];
	v16 =	vmax.f32 v16, v56;
	v15 =	vsel vm8, $0x2D, v15;
	v19 =	vsel vm1, $0xF, v19  }
0x141: {  	v29 =	vld [tilespmem:s19+$0x5820];
	vm1 =	vgt.f32 v58, v14;
	vm2 =	vgt.f32 v59, v16;
	v14 =	vmax.f32 v14, v58  }
0x142: {  	v30 =	vld [tilespmem:s19+$0x4840];
	v16 =	vmax.f32 v16, v59;
	v15 =	vsel vm9, $0x2E, v15;
	v19 =	vsel vm1, $0x10, v19  }
0x143: {  	v31 =	vld [tilespmem:s19+$0x5830];
	vm1 =	vgt.f32 v60, v14;
	vm3 =	vgt.f32 v61, v16;
	v14 =	vmax.f32 v14, v60  }
0x144: {  	v32 =	vld [tilespmem:s19+$0x4850];
	v16 =	vmax.f32 v16, v61;
	v15 =	vsel vm2, $0x2F, v15;
	v19 =	vsel vm1, $0x11, v19  }
0x145: {  	v33 =	vld [tilespmem:s19+$0x5840];
	vm1 =	vgt.f32 v62, v14;
	vm10 =	vgt.f32 v63, v16;
	v14 =	vmax.f32 v14, v62  }
0x146: {  	v34 =	vld [tilespmem:s19+$0x4860];
	v16 =	vmax.f32 v16, v63;
	v15 =	vsel vm3, $0x30, v15;
	v19 =	vsel vm1, $0x12, v19  }
0x147: {  	v35 =	vld [tilespmem:s19+$0x5850];
	vm1 =	vgt.f32 v28, v14;
	vm11 =	vgt.f32 v29, v16;
	v14 =	vmax.f32 v14, v28  }
0x148: {  	v36 =	vld [tilespmem:s19+$0x4870];
	v16 =	vmax.f32 v16, v29;
	v15 =	vsel vm10, $0x31, v15;
	v19 =	vsel vm1, $0x13, v19  }
0x149: {  	v37 =	vld [tilespmem:s19+$0x5860];
	vm1 =	vgt.f32 v30, v14;
	vm6 =	vgt.f32 v31, v16;
	v14 =	vmax.f32 v14, v30  }
0x14a: {  	v38 =	vld [tilespmem:s19+$0x4C00];
	v16 =	vmax.f32 v16, v31;
	v15 =	vsel vm11, $0x32, v15;
	v19 =	vsel vm1, $0x14, v19  }
0x14b: {  	v39 =	vld [tilespmem:s19+$0x5870];
	vm1 =	vgt.f32 v32, v14;
	vm7 =	vgt.f32 v33, v16;
	v14 =	vmax.f32 v14, v32  }
0x14c: {  	v40 =	vld [tilespmem:s19+$0x4C10];
	s25 =	sor.u32 $0x1C00, s18;
	v16 =	vmax.f32 v16, v33;
	v15 =	vsel vm6, $0x33, v15;
	v19 =	vsel vm1, $0x15, v19  }
0x14d: {  	s26 =	sor.u32 $0x1C10, s18;
	v41 =	vld [tilespmem:s25+$0x4000];
	vm2 =	vgt.f32 v34, v14;
	vm1 =	vgt.f32 v35, v16;
	v14 =	vmax.f32 v14, v34  }
0x14e: {  	s28 =	sor.u32 $0x1C20, s18;
	v42 =	vld [tilespmem:s26+$0x4000];
	v16 =	vmax.f32 v16, v35;
	v15 =	vsel vm7, $0x34, v15;
	v19 =	vsel vm2, $0x16, v19  }
0x14f: {  	s29 =	sor.u32 $0x1C30, s18;
	v43 =	vld [tilespmem:s28+$0x4000];
	vm3 =	vgt.f32 v36, v14;
	vm2 =	vgt.f32 v37, v16;
	v14 =	vmax.f32 v14, v36  }
0x150: {  	s30 =	sor.u32 $0x1C40, s18;
	v44 =	vld [tilespmem:s29+$0x4000];
	v16 =	vmax.f32 v16, v37;
	v19 =	vsel vm3, $0x17, v19;
	vm12 =	vgt.f32 v38, v14  }
0x151: {  	s31 =	sor.u32 $0x1C50, s18;
	v45 =	vld [tilespmem:s30+$0x4000];
	vm3 =	vgt.f32 v39, v16;
	v14 =	vmax.f32 v14, v38;
	v16 =	vmax.f32 v16, v39  }
0x152: {  	v26 =	vld [tilespmem:s31+$0x4000];
	v15 =	vsel vm1, $0x35, v15;
	v22 =	vmax.f32 v14, v40;
	v25 =	vmax.f32 v16, v41  }
0x153: {  	v15 =	vsel vm2, $0x36, v15;
	v46 =	vmax.f32 v22, v13;
	v47 =	vmax.f32 v25, v42  }
0x154: {  	v19 =	vsel vm12, $0x18, v19;
	v27 =	vmax.f32 v46, v12;
	v48 =	vmax.f32 v47, v43  }
0x155: {  	vm13 =	vgt.f32 v40, v14;
	v49 =	vmax.f32 v27, v11;
	v28 =	vmax.f32 v48, v44  }
0x156: {  	vm14 =	vgt.f32 v41, v16;
	v29 =	vmax.f32 v49, v9;
	v30 =	vmax.f32 v28, v45  }
0x157: {  	v54 =	vsel vm3, $0x37, v15;
	v50 =	vmax.f32 v29, v8;
	v51 =	vmax.f32 v30, v26  }
0x158: {  	v19 =	vsel vm13, $0x19, v19;
	vm1 =	vgt.f32 v13, v22;
	v52 =	vmax.f32 v50, v51  }
0x159: {  	vm2 =	vgt.f32 v42, v25;
	v14 =	vsel vm14, $0x38, v54;
	v53 =	vmax.f32 v52, v10  }
0x15a: {  	v19 =	vsel vm1, $0x1A, v19;
	vm1 =	vgt.f32 v12, v46;
	v55 =	vperm.xlane v53, v3  }
0x15b: {  	vm3 =	vgt.f32 v43, v47;
	v57 =	vsel vm2, $0x39, v14;
	v56 =	vsel vm1, $0x1B, v19  }
0x15c: {  	vm1 =	vgt.f32 v11, v27;
	vm15 =	vgt.f32 v44, v48;
	v15 =	vmax.f32 v53, v55  }
0x15d: {  	v11 =	vsel vm1, $0x1C, v56;
	vm1 =	vgt.f32 v9, v49;
	v58 =	vperm.xlane v15, v4  }
0x15e: {  	v9 =	vsel vm3, $0x3A, v57;
	v11 =	vsel vm1, $0x1D, v11;
	vm1 =	vgt.f32 v45, v28  }
0x15f: {  	vm2 =	vgt.f32 v8, v29;
	v8 =	vsel vm15, $0x3B, v9;
	v59 =	vmax.f32 v15, v58  }
0x160: {  	v8 =	vsel vm1, $0x3C, v8;
	vm1 =	vgt.f32 v26, v30;
	v14 =	vperm.xlane v59, v5  }
0x161: {  	v11 =	vsel vm2, $0x1E, v11;
	v8 =	vsel vm1, $0x3D, v8;
	vm1 =	vgt.f32 v51, v50  }
0x162: {  	v8 =	vsel vm1, v8, v11;
	vm1 =	vgt.f32 v10, v52;
	v9 =	vmax.f32 v59, v14  }
0x163: {  	v8 =	vsel vm1, $0x3E, v8;
	v60 =	vperm.xlane v9, v6  }
0x164: {  	v61 =	vshll.u32 v8, $0x4  }
0x165: {  	vm1 =	veq.s32 v8, $0x3E;
	v11 =	vor.u32 v1, v61;
	v8 =	vmax.f32 v9, v60  }
0x166: {  	v62 =	vsel vm1, v2, v11;
	vm1 =	veq.f32 v53, v8  }
0x167: {  	v8 =	vnsel vm1, $0x3E8, v62  }
0x168: {  	v9 =	vperm.xlane v8, v3;
	_ =	sdelay $0x1  }
0x169: {  	vm1 =	vlt.s32 v8, v9  }
0x16a: {  	v8 =	vsel vm1, v8, v9  }
0x16b: {  	v9 =	vperm.xlane v8, v4;
	_ =	sdelay $0x1  }
0x16c: {  	vm1 =	vlt.s32 v8, v9  }
0x16d: {  	v8 =	vsel vm1, v8, v9  }
0x16e: {  	v9 =	vperm.xlane v8, v5;
	_ =	sdelay $0x1  }
0x16f: {  	vm1 =	vlt.s32 v8, v9  }
0x170: {  	s15 =	sadd.s32 $0x1, s15;
	v8 =	vsel vm1, v8, v9  }
0x171: {  	p0 =	sne.s32 s15, $0x10;
	v9 =	vperm.xlane v8, v6  }
.Ltmp2:
0x172: {  	_ = 	snop;
	(pc) =	sbr.rel @p0 .LBB2_2-.Ltmp2, $4  }
0x173: {  	v63 =	vmov s17;
	vm1 =	vlt.s32 v8, v9  }
0x174: {  	vm2 =	veq.s32 v63, v1;
	v8 =	vsel vm1, v8, v9  }
0x175: {  	v7 =	vsel vm2, v8, v7  }
0x176: {  	[tilespmem:s16+$0x8000] =	vst v7  }
0x177: {  	s14 =	sadd.s32 $0x1, s14  }
0x178: {  	p0 =	sne.s32 s14, s8  }
.Ltmp3:
0x179: {  	_ = 	snop;
	(pc) =	sbr.rel @p0 .LBB2_1-.Ltmp3, $4  }
0x17a: {  	[hbm4b:s7+s1] =	stream.linear.scatter [tilespmem:s12], [sflag:$0x3], $0x200, $0x38;
	[tilespmem:$0x8200] =	vst v63  }
0x17b: {  	_ =	swait.ge [sflag:s13], $0x200  }
0x17c: {  	[sflag:s13] =	ssyncset.done $0x0  }
0x17d: {  	[sflag:s13] =	ssyncadd.s32 $0xFFFFFE00  }
0x17e: {  	_ =	sfence.sel $0x180000  }
0x17f: {  	[bflag:$0x0] =	sbarrier.arrive $0xFFFF  }
0x180: {  	p0 =	sne.s32 s2, $0x0;
	_ =	strace $0x90000047  }
0x181: {  	s0 =	sadd.s32 @!p0 $0x100000, s0;
	[bflag:$0x2] =	sbarrier.arrive $0xFFFF  }
0x182: {  	[sflag:s0] =	ssyncadd.tile.s32 @!p0 $0x1;
	_ =	shalt  }
.Lfunc_end2:
_tile_overlayer_lowered:
.L_overlay_start_2:
0x183: {  	(tag) =	ssettag $0x2  }
0x184: {  	s0 =	rddreg [dreg:$0x0];
	s2 =	stileid.u32  }
0x185: {  	s1 =	rddreg [dreg:$0x1];
	p0 =	sne.s32 s2, $0x0  }
0x186: {  	s3 =	rddreg [dreg:$0x2];
	[bflag:$0x3] =	sbarrier.arrive $0xFFFF;
	s2 =	simm.s32 @!p0 $0x1C03  }
0x187: {  	[timem:s3], [sflag:s2] =	dma.local @!p0 [hbm:s0], s1  }
0x188: {  	s0 =	simm.s32 @!p0 $0x3  }
0x189: {  	_ =	swait.ge @!p0 [sflag:s0], s1  }
0x18a: {  	s1 =	ssub.s32 @!p0 $0x0, s1;
	[sflag:s0] =	ssyncset.done @!p0 $0x0  }
0x18b: {  	[sflag:s0] =	ssyncadd.s32 @!p0 s1  }
0x18c: {  	[bflag:$0x3] =	sbarrier.arrive $0xFFFF  }
0x18d: {  	_ =	shalt  }

</sc_bundles>
